<compile_context>
chip_gen: v7x
topology: tpu7x:2x2x1
jax: 0.10.2.dev20260603
libtpu: 0.0.44.dev20260713+nightly
codegen_flags: <defaults>
</compile_context>

<pallas_src>
import functools

import jax
import jax.numpy as jnp
from jax import lax
from jax.experimental import pallas as pl
from jax.experimental.pallas import tpu as pltpu
from jax.experimental.pallas import tpu_sc as plsc

_B = 16384
_F = 128
_LANES = 16
_NC = 2
_NS = 16
_NW = _NC * _NS
_BPW = _B // _NW
_CHUNK = 64
_NCHUNK = _BPW // _CHUNK
_NPAIR = _NCHUNK // 2


def _sc_body(vtab_hbm, gtab_hbm, tgt_hbm, vals_hbm,
             bmv_hbm, bmg_hbm, msk_hbm,
             idx_v, vrow, grow, val, msk, in_sem, out_sem):
    wid = lax.axis_index("s") * _NC + lax.axis_index("c")
    base = wid * _BPW

    pltpu.sync_copy(tgt_hbm.at[pl.ds(base, _BPW)], idx_v)

    def read_descs(b, c):
        idx_sl = idx_v.at[pl.ds(c * _CHUNK, _CHUNK)]
        row0 = base + c * _CHUNK
        return (
            pltpu.make_async_copy(vtab_hbm.at[idx_sl], vrow[b], in_sem),
            pltpu.make_async_copy(gtab_hbm.at[idx_sl], grow[b], in_sem),
            pltpu.make_async_copy(vals_hbm.at[pl.ds(row0, _CHUNK)], val[b],
                                  in_sem),
        )

    def vg_write_descs(b, c):
        row0 = base + c * _CHUNK
        return (
            pltpu.make_async_copy(vrow[b], bmv_hbm.at[pl.ds(row0, _CHUNK)],
                                  out_sem),
            pltpu.make_async_copy(grow[b], bmg_hbm.at[pl.ds(row0, _CHUNK)],
                                  out_sem),
        )

    def m_write_desc(b, c):
        row0 = base + c * _CHUNK
        return pltpu.make_async_copy(msk[b], msk_hbm.at[pl.ds(row0, _CHUNK)],
                                     out_sem)

    def compute(b):
        def ew(i, _):
            for j in range(_F // _LANES):
                sl = pl.ds(j * _LANES, _LANES)
                mv = vrow[b][i, sl]
                mg = grow[b][i, sl]
                va = val[b][i, sl]
                m = (mv < 0.0) & (va > 0.0) & (mg < 0.0)
                msk[b][i, sl] = jnp.where(
                    m, jnp.full((_LANES,), 1, jnp.int32),
                    jnp.full((_LANES,), 0, jnp.int32))
            return _

        lax.fori_loop(0, _CHUNK, ew, None)

    def stage(b, c):
        for d in read_descs(b, c):
            d.wait()
        for d in vg_write_descs(b, c):
            d.start()
        compute(b)
        m_write_desc(b, c).start()

    def recycle(b, c, k):
        for d in vg_write_descs(b, c):
            d.wait()
        m_write_desc(b, c).wait()

        @pl.when(k < _NPAIR - 1)
        def _():
            for d in read_descs(b, c + 2):
                d.start()

    for d in read_descs(0, 0):
        d.start()
    for d in read_descs(1, 1):
        d.start()

    def body(k, carry):
        c0 = 2 * k
        c1 = c0 + 1
        stage(0, c0)
        stage(1, c1)
        recycle(0, c0, k)
        recycle(1, c1, k)
        return carry

    lax.fori_loop(0, _NPAIR, body, 0)


@jax.jit
def _run(values, targets, value_memory, grad_memory):
    mesh = plsc.VectorSubcoreMesh(
        core_axis_name="c", subcore_axis_name="s",
        num_cores=_NC, num_subcores=_NS)
    f = functools.partial(
        pl.kernel,
        out_type=[
            jax.ShapeDtypeStruct((_B, _F), jnp.float32),
            jax.ShapeDtypeStruct((_B, _F), jnp.float32),
            jax.ShapeDtypeStruct((_B, _F), jnp.int32),
        ],
        mesh=mesh,
        scratch_types=[
            pltpu.VMEM((_BPW,), jnp.int32),
            [pltpu.VMEM((_CHUNK, _F), jnp.float32) for _ in range(2)],
            [pltpu.VMEM((_CHUNK, _F), jnp.float32) for _ in range(2)],
            [pltpu.VMEM((_CHUNK, _F), jnp.float32) for _ in range(2)],
            [pltpu.VMEM((_CHUNK, _F), jnp.int32) for _ in range(2)],
            pltpu.SemaphoreType.DMA,
            pltpu.SemaphoreType.DMA,
        ],
    )(_sc_body)
    return f(value_memory, grad_memory, targets, values)


def kernel(values, targets, value_memory, grad_memory):
    bmv, bmg, msk = _run(values, targets.astype(jnp.int32),
                         value_memory, grad_memory)
    return bmv, bmg, msk.astype(jnp.bool_)

# --- scband reference (transcript-rebuilt; emitter-appended) ---
"""Pipeline reference for scband-forward-backward-memory-34359739193 (READ-ONLY COPY).

The authoritative reference and input builder live on the scoring server;
editing this copy changes nothing except your own understanding.
"""

import jax, jax.numpy as jnp
import numpy as np

B = 16384
NUM_FEATURES = 128
NUM_MEMORY_ENTRIES = 100000
MOMENTUM = 0.9
UPDATE_INTERVAL = 5
TAU = 0.0


def setup_inputs(seed: int = 0) -> dict:
    key = jax.random.key(seed)
    k1, k2 = jax.random.split(key)
    values = jax.random.normal(k1, (B, NUM_FEATURES), dtype=jnp.float32)
    targets = jax.random.randint(k2, (B,), 0, NUM_MEMORY_ENTRIES)
    # Internal state of the torch module: memories initialized to zeros.
    value_memory = jnp.zeros((NUM_MEMORY_ENTRIES, NUM_FEATURES), dtype=jnp.float32)
    grad_memory = jnp.zeros((NUM_MEMORY_ENTRIES, NUM_FEATURES), dtype=jnp.float32)
    return {"values": values, "targets": targets, "value_memory": value_memory, "grad_memory": grad_memory}


def reference(values, targets, value_memory, grad_memory):
    # Faithful translation of ForwardBackwardMemory.update_value for a single call.
    # count starts at 0; after increment count = 1 % UPDATE_INTERVAL = 1 != 0,
    # so no EMA write happens on this (first) call even in training mode.
    # The per-row MemoryManager loop is a gather over the target indices.
    batch_mean_value = jnp.take(value_memory, targets, axis=0)  # [B, F] gather
    batch_mean_grad = jnp.take(grad_memory, targets, axis=0)    # [B, F] gather
    mask_value = (batch_mean_value < TAU) & (values > TAU)
    mask_grad = batch_mean_grad < 0
    mask = mask_value & mask_grad
    # torch method returns None and stores self.mask; we return the computed tensors.
    return (batch_mean_value, batch_mean_grad, mask)

if __name__ == "__main__":
    import jax
    _d = setup_inputs()
    print(jax.jit(kernel)(*tuple(_d.values())))

</pallas_src>

<mosaic_0001>
#map = affine_map<(d0, d1) -> (0, 0)>
#map1 = affine_map<(d0, d1) -> (0)>
module attributes {stable_mosaic.version = 14 : i64} {
  func.func @_sc_body(%arg0: i32, %arg1: i32, %arg2: memref<100000x128xf32, #tpu.memory_space<hbm>>, %arg3: memref<100000x128xf32, #tpu.memory_space<hbm>>, %arg4: memref<16384xi32, #tpu.memory_space<hbm>>, %arg5: memref<16384x128xf32, #tpu.memory_space<hbm>>, %arg6: memref<16384x128xf32, #tpu.memory_space<hbm>>, %arg7: memref<16384x128xf32, #tpu.memory_space<hbm>>, %arg8: memref<16384x128xi32, #tpu.memory_space<hbm>>, %arg9: memref<512xi32, #tpu.memory_space<vmem>>, %arg10: memref<64x128xf32, #tpu.memory_space<vmem>>, %arg11: memref<64x128xf32, #tpu.memory_space<vmem>>, %arg12: memref<64x128xf32, #tpu.memory_space<vmem>>, %arg13: memref<64x128xf32, #tpu.memory_space<vmem>>, %arg14: memref<64x128xf32, #tpu.memory_space<vmem>>, %arg15: memref<64x128xf32, #tpu.memory_space<vmem>>, %arg16: memref<64x128xi32, #tpu.memory_space<vmem>>, %arg17: memref<64x128xi32, #tpu.memory_space<vmem>>, %arg18: memref<!tpu.dma_semaphore, #tpu.memory_space<semaphore_mem>>, %arg19: memref<!tpu.dma_semaphore, #tpu.memory_space<semaphore_mem>>) attributes {dimension_semantics = [#tpu.dimension_semantics<core_parallel>, #tpu.dimension_semantics<subcore_parallel>], iteration_bounds = array<i64: 2, 16>, scalar_prefetch = 0 : i64, scratch_operands = 11 : i64, tpu.core_type = #tpu.core_type<sc_vector_subcore>, window_params = [{transform_indices = #map}, {transform_indices = #map}, {transform_indices = #map1}, {transform_indices = #map}, {transform_indices = #map}, {transform_indices = #map}, {transform_indices = #map}]} {
    %mul3A = arith.constant 2 : i32
    %mul3A_0 = arith.muli %arg1, %mul3A : i32
    %add3A = arith.addi %mul3A_0, %arg0 : i32
    %mul3A_1 = arith.constant 512 : i32
    %mul3A_2 = arith.muli %add3A, %mul3A_1 : i32
    "tpu.region"() ({
      %run_scoped3A = tpu.sem_alloc : memref<!tpu.dma_semaphore, #tpu.memory_space<semaphore_mem>>
      %dma_start3A_39 = tpu.memref_slice %arg4[%mul3A_2] : memref<16384xi32, #tpu.memory_space<hbm>> -> memref<512xi32, #tpu.memory_space<hbm>>
      %dma_start3A_40 = tpu.memref_slice %arg4[%mul3A_2] : memref<16384xi32, #tpu.memory_space<hbm>> -> memref<512xi32, #tpu.memory_space<hbm>>
      tpu.enqueue_dma source(%dma_start3A_40 : memref<512xi32, #tpu.memory_space<hbm>>) target(%arg9 : memref<512xi32, #tpu.memory_space<vmem>>) target_semaphore(%run_scoped3A : memref<!tpu.dma_semaphore, #tpu.memory_space<semaphore_mem>>)
      %dma_wait3A = tpu.memref_slice %arg4[%mul3A_2] : memref<16384xi32, #tpu.memory_space<hbm>> -> memref<512xi32, #tpu.memory_space<hbm>>
      %dma_wait3A_41 = tpu.memref_slice %arg4[%mul3A_2] : memref<16384xi32, #tpu.memory_space<hbm>> -> memref<512xi32, #tpu.memory_space<hbm>>
      tpu.wait_dma2 semaphore(%run_scoped3A : memref<!tpu.dma_semaphore, #tpu.memory_space<semaphore_mem>>) src(%dma_wait3A_41 : memref<512xi32, #tpu.memory_space<hbm>>) dst(%arg9 : memref<512xi32, #tpu.memory_space<vmem>>)
      tpu.yield
    }) : () -> ()
    %add3A_3 = arith.constant 0 : i32
    %add3A_4 = arith.addi %mul3A_2, %add3A_3 : i32
    %dma_start3A = arith.constant 0 : i32
    %dma_start3A_5 = tpu.memref_slice %arg9[%dma_start3A] : memref<512xi32, #tpu.memory_space<vmem>> -> memref<64xi32, #tpu.memory_space<vmem>>
    %dma_start3A_6 = arith.constant 0 : i32
    %dma_start3A_7 = arith.constant 0 : i32
    %dma_start3A_8 = tpu.memref_slice %arg2[%dma_start3A_6, %dma_start3A_7] : memref<100000x128xf32, #tpu.memory_space<hbm>> -> memref<100000x128xf32, #tpu.memory_space<hbm>>
    tpu.enqueue_indirect_dma source(%dma_start3A_8 : memref<100000x128xf32, #tpu.memory_space<hbm>>) target(%arg10 : memref<64x128xf32, #tpu.memory_space<vmem>>) offsets(%dma_start3A_5 : memref<64xi32, #tpu.memory_space<vmem>>) semaphore(%arg18 : memref<!tpu.dma_semaphore, #tpu.memory_space<semaphore_mem>>)
    %dma_start3A_9 = arith.constant 0 : i32
    %dma_start3A_10 = tpu.memref_slice %arg9[%dma_start3A_9] : memref<512xi32, #tpu.memory_space<vmem>> -> memref<64xi32, #tpu.memory_space<vmem>>
    %dma_start3A_11 = arith.constant 0 : i32
    %dma_start3A_12 = arith.constant 0 : i32
    %dma_start3A_13 = tpu.memref_slice %arg3[%dma_start3A_11, %dma_start3A_12] : memref<100000x128xf32, #tpu.memory_space<hbm>> -> memref<100000x128xf32, #tpu.memory_space<hbm>>
    tpu.enqueue_indirect_dma source(%dma_start3A_13 : memref<100000x128xf32, #tpu.memory_space<hbm>>) target(%arg12 : memref<64x128xf32, #tpu.memory_space<vmem>>) offsets(%dma_start3A_10 : memref<64xi32, #tpu.memory_space<vmem>>) semaphore(%arg18 : memref<!tpu.dma_semaphore, #tpu.memory_space<semaphore_mem>>)
    %dma_start3A_14 = arith.constant 0 : i32
    %dma_start3A_15 = tpu.memref_slice %arg5[%add3A_4, %dma_start3A_14] : memref<16384x128xf32, #tpu.memory_space<hbm>> -> memref<64x128xf32, #tpu.memory_space<hbm>>
    %dma_start3A_16 = arith.constant 0 : i32
    %dma_start3A_17 = tpu.memref_slice %arg5[%add3A_4, %dma_start3A_16] : memref<16384x128xf32, #tpu.memory_space<hbm>> -> memref<64x128xf32, #tpu.memory_space<hbm>>
    tpu.enqueue_dma source(%dma_start3A_17 : memref<64x128xf32, #tpu.memory_space<hbm>>) target(%arg14 : memref<64x128xf32, #tpu.memory_space<vmem>>) target_semaphore(%arg18 : memref<!tpu.dma_semaphore, #tpu.memory_space<semaphore_mem>>)
    %add3A_18 = arith.constant 64 : i32
    %add3A_19 = arith.addi %mul3A_2, %add3A_18 : i32
    %dma_start3A_20 = arith.constant 64 : i32
    %dma_start3A_21 = tpu.memref_slice %arg9[%dma_start3A_20] : memref<512xi32, #tpu.memory_space<vmem>> -> memref<64xi32, #tpu.memory_space<vmem>>
    %dma_start3A_22 = arith.constant 0 : i32
    %dma_start3A_23 = arith.constant 0 : i32
    %dma_start3A_24 = tpu.memref_slice %arg2[%dma_start3A_22, %dma_start3A_23] : memref<100000x128xf32, #tpu.memory_space<hbm>> -> memref<100000x128xf32, #tpu.memory_space<hbm>>
    tpu.enqueue_indirect_dma source(%dma_start3A_24 : memref<100000x128xf32, #tpu.memory_space<hbm>>) target(%arg11 : memref<64x128xf32, #tpu.memory_space<vmem>>) offsets(%dma_start3A_21 : memref<64xi32, #tpu.memory_space<vmem>>) semaphore(%arg18 : memref<!tpu.dma_semaphore, #tpu.memory_space<semaphore_mem>>)
    %dma_start3A_25 = arith.constant 64 : i32
    %dma_start3A_26 = tpu.memref_slice %arg9[%dma_start3A_25] : memref<512xi32, #tpu.memory_space<vmem>> -> memref<64xi32, #tpu.memory_space<vmem>>
    %dma_start3A_27 = arith.constant 0 : i32
    %dma_start3A_28 = arith.constant 0 : i32
    %dma_start3A_29 = tpu.memref_slice %arg3[%dma_start3A_27, %dma_start3A_28] : memref<100000x128xf32, #tpu.memory_space<hbm>> -> memref<100000x128xf32, #tpu.memory_space<hbm>>
    tpu.enqueue_indirect_dma source(%dma_start3A_29 : memref<100000x128xf32, #tpu.memory_space<hbm>>) target(%arg13 : memref<64x128xf32, #tpu.memory_space<vmem>>) offsets(%dma_start3A_26 : memref<64xi32, #tpu.memory_space<vmem>>) semaphore(%arg18 : memref<!tpu.dma_semaphore, #tpu.memory_space<semaphore_mem>>)
    %dma_start3A_30 = arith.constant 0 : i32
    %dma_start3A_31 = tpu.memref_slice %arg5[%add3A_19, %dma_start3A_30] : memref<16384x128xf32, #tpu.memory_space<hbm>> -> memref<64x128xf32, #tpu.memory_space<hbm>>
    %dma_start3A_32 = arith.constant 0 : i32
    %dma_start3A_33 = tpu.memref_slice %arg5[%add3A_19, %dma_start3A_32] : memref<16384x128xf32, #tpu.memory_space<hbm>> -> memref<64x128xf32, #tpu.memory_space<hbm>>
    tpu.enqueue_dma source(%dma_start3A_33 : memref<64x128xf32, #tpu.memory_space<hbm>>) target(%arg15 : memref<64x128xf32, #tpu.memory_space<vmem>>) target_semaphore(%arg18 : memref<!tpu.dma_semaphore, #tpu.memory_space<semaphore_mem>>)
    %scan3A = arith.constant 0 : i32
    %scan3A_34 = arith.constant 0 : i32
    %scan3A_35 = arith.constant 4 : i32
    %scan3A_36 = arith.addi %scan3A_34, %scan3A_35 : i32
    %scan3A_37 = arith.constant 1 : i32
    scf.for %scan3A_39 = %scan3A_34 to %scan3A_36 step %scan3A_37  : i32 {
      %mul3A_40 = arith.constant 2 : i32
      %mul3A_41 = arith.muli %mul3A_40, %scan3A_39 : i32
      %add3A_42 = arith.constant 1 : i32
      %add3A_43 = arith.addi %mul3A_41, %add3A_42 : i32
      %mul3A_44 = arith.constant 64 : i32
      %mul3A_45 = arith.muli %mul3A_41, %mul3A_44 : i32
      %mul3A_46 = arith.constant 64 : i32
      %mul3A_47 = arith.muli %mul3A_41, %mul3A_46 : i32
      %add3A_48 = arith.addi %mul3A_2, %mul3A_47 : i32
      %dma_wait3A = tpu.memref_slice %arg9[%mul3A_45] : memref<512xi32, #tpu.memory_space<vmem>> -> memref<64xi32, #tpu.memory_space<vmem>>
      %dma_wait3A_49 = arith.constant 0 : i32
      %dma_wait3A_50 = arith.constant 0 : i32
      %dma_wait3A_51 = tpu.memref_slice %arg2[%dma_wait3A_49, %dma_wait3A_50] : memref<100000x128xf32, #tpu.memory_space<hbm>> -> memref<100000x128xf32, #tpu.memory_space<hbm>>
      tpu.wait_indirect_dma semaphore(%arg18 : memref<!tpu.dma_semaphore, #tpu.memory_space<semaphore_mem>>) src(%dma_wait3A_51 : memref<100000x128xf32, #tpu.memory_space<hbm>>) dst(%arg10 : memref<64x128xf32, #tpu.memory_space<vmem>>)
      %dma_wait3A_52 = tpu.memref_slice %arg9[%mul3A_45] : memref<512xi32, #tpu.memory_space<vmem>> -> memref<64xi32, #tpu.memory_space<vmem>>
      %dma_wait3A_53 = arith.constant 0 : i32
      %dma_wait3A_54 = arith.constant 0 : i32
      %dma_wait3A_55 = tpu.memref_slice %arg3[%dma_wait3A_53, %dma_wait3A_54] : memref<100000x128xf32, #tpu.memory_space<hbm>> -> memref<100000x128xf32, #tpu.memory_space<hbm>>
      tpu.wait_indirect_dma semaphore(%arg18 : memref<!tpu.dma_semaphore, #tpu.memory_space<semaphore_mem>>) src(%dma_wait3A_55 : memref<100000x128xf32, #tpu.memory_space<hbm>>) dst(%arg12 : memref<64x128xf32, #tpu.memory_space<vmem>>)
      %dma_wait3A_56 = arith.constant 0 : i32
      %dma_wait3A_57 = tpu.memref_slice %arg5[%add3A_48, %dma_wait3A_56] : memref<16384x128xf32, #tpu.memory_space<hbm>> -> memref<64x128xf32, #tpu.memory_space<hbm>>
      %dma_wait3A_58 = arith.constant 0 : i32
      %dma_wait3A_59 = tpu.memref_slice %arg5[%add3A_48, %dma_wait3A_58] : memref<16384x128xf32, #tpu.memory_space<hbm>> -> memref<64x128xf32, #tpu.memory_space<hbm>>
      tpu.wait_dma2 semaphore(%arg18 : memref<!tpu.dma_semaphore, #tpu.memory_space<semaphore_mem>>) src(%dma_wait3A_59 : memref<64x128xf32, #tpu.memory_space<hbm>>) dst(%arg14 : memref<64x128xf32, #tpu.memory_space<vmem>>)
      %mul3A_60 = arith.constant 64 : i32
      %mul3A_61 = arith.muli %mul3A_41, %mul3A_60 : i32
      %add3A_62 = arith.addi %mul3A_2, %mul3A_61 : i32
      %dma_start3A_63 = arith.constant 0 : i32
      %dma_start3A_64 = tpu.memref_slice %arg6[%add3A_62, %dma_start3A_63] : memref<16384x128xf32, #tpu.memory_space<hbm>> -> memref<64x128xf32, #tpu.memory_space<hbm>>
      %dma_start3A_65 = arith.constant 0 : i32
      %dma_start3A_66 = tpu.memref_slice %arg6[%add3A_62, %dma_start3A_65] : memref<16384x128xf32, #tpu.memory_space<hbm>> -> memref<64x128xf32, #tpu.memory_space<hbm>>
      tpu.enqueue_dma source(%arg10 : memref<64x128xf32, #tpu.memory_space<vmem>>) target(%dma_start3A_66 : memref<64x128xf32, #tpu.memory_space<hbm>>) target_semaphore(%arg19 : memref<!tpu.dma_semaphore, #tpu.memory_space<semaphore_mem>>)
      %dma_start3A_67 = arith.constant 0 : i32
      %dma_start3A_68 = tpu.memref_slice %arg7[%add3A_62, %dma_start3A_67] : memref<16384x128xf32, #tpu.memory_space<hbm>> -> memref<64x128xf32, #tpu.memory_space<hbm>>
      %dma_start3A_69 = arith.constant 0 : i32
      %dma_start3A_70 = tpu.memref_slice %arg7[%add3A_62, %dma_start3A_69] : memref<16384x128xf32, #tpu.memory_space<hbm>> -> memref<64x128xf32, #tpu.memory_space<hbm>>
      tpu.enqueue_dma source(%arg12 : memref<64x128xf32, #tpu.memory_space<vmem>>) target(%dma_start3A_70 : memref<64x128xf32, #tpu.memory_space<hbm>>) target_semaphore(%arg19 : memref<!tpu.dma_semaphore, #tpu.memory_space<semaphore_mem>>)
      %scan3A_71 = arith.constant 0 : i32
      %scan3A_72 = arith.constant 64 : i32
      %scan3A_73 = arith.addi %scan3A_71, %scan3A_72 : i32
      %scan3A_74 = arith.constant 1 : i32
      scf.for %scan3A_166 = %scan3A_71 to %scan3A_73 step %scan3A_74  : i32 {
        %get3A = arith.index_cast %scan3A_166 : i32 to index
        %get3A_167 = arith.constant 0 : index
        %get3A_168 = tpu.vector_load %arg10[%get3A, %get3A_167] {strides = array<i32>} : memref<64x128xf32, #tpu.memory_space<vmem>>, vector<1x16xf32>,
        %get3A_169 = vector.shape_cast %get3A_168 : vector<1x16xf32> to vector<16xf32>
        %get3A_170 = arith.index_cast %scan3A_166 : i32 to index
        %get3A_171 = arith.constant 0 : index
        %get3A_172 = tpu.vector_load %arg12[%get3A_170, %get3A_171] {strides = array<i32>} : memref<64x128xf32, #tpu.memory_space<vmem>>, vector<1x16xf32>,
        %get3A_173 = vector.shape_cast %get3A_172 : vector<1x16xf32> to vector<16xf32>
        %get3A_174 = arith.index_cast %scan3A_166 : i32 to index
        %get3A_175 = arith.constant 0 : index
        %get3A_176 = tpu.vector_load %arg14[%get3A_174, %get3A_175] {strides = array<i32>} : memref<64x128xf32, #tpu.memory_space<vmem>>, vector<1x16xf32>,
        %get3A_177 = vector.shape_cast %get3A_176 : vector<1x16xf32> to vector<16xf32>
        %lt3A_178 = arith.constant 0.000000e+00 : f32
        %lt3A_179 = vector.broadcast %lt3A_178 : f32 to vector<16xf32>
        %lt3A_180 = arith.cmpf olt, %get3A_169, %lt3A_179 : vector<16xf32>
        %gt3A = arith.constant 0.000000e+00 : f32
        %gt3A_181 = vector.broadcast %gt3A : f32 to vector<16xf32>
        %gt3A_182 = arith.cmpf ogt, %get3A_177, %gt3A_181 : vector<16xf32>
        %and3A = arith.andi %lt3A_180, %gt3A_182 : vector<16xi1>
        %lt3A_183 = arith.constant 0.000000e+00 : f32
        %lt3A_184 = vector.broadcast %lt3A_183 : f32 to vector<16xf32>
        %lt3A_185 = arith.cmpf olt, %get3A_173, %lt3A_184 : vector<16xf32>
        %and3A_186 = arith.andi %and3A, %lt3A_185 : vector<16xi1>
        %broadcast_in_dim3A = arith.constant 1 : i32
        %broadcast_in_dim3A_187 = vector.broadcast %broadcast_in_dim3A : i32 to vector<16xi32>
        %broadcast_in_dim3A_188 = arith.constant 0 : i32
        %broadcast_in_dim3A_189 = vector.broadcast %broadcast_in_dim3A_188 : i32 to vector<16xi32>
        %select_n3A = arith.select %and3A_186, %broadcast_in_dim3A_187, %broadcast_in_dim3A_189 : vector<16xi1>, vector<16xi32>
        %swap3A = arith.index_cast %scan3A_166 : i32 to index
        %swap3A_190 = arith.constant 0 : index
        %swap3A_191 = tpu.vector_load %arg16[%swap3A, %swap3A_190] {strides = array<i32>} : memref<64x128xi32, #tpu.memory_space<vmem>>, vector<1x16xi32>,
        %swap3A_192 = vector.shape_cast %swap3A_191 : vector<1x16xi32> to vector<16xi32>
        %swap3A_193 = vector.shape_cast %select_n3A : vector<16xi32> to vector<1x16xi32>
        tpu.vector_store %arg16[%swap3A, %swap3A_190], %swap3A_193 {strides = array<i32>} : memref<64x128xi32, #tpu.memory_space<vmem>>, vector<1x16xi32>,
        %get3A_194 = arith.index_cast %scan3A_166 : i32 to index
        %get3A_195 = arith.constant 16 : index
        %get3A_196 = tpu.vector_load %arg10[%get3A_194, %get3A_195] {strides = array<i32>} : memref<64x128xf32, #tpu.memory_space<vmem>>, vector<1x16xf32>,
        %get3A_197 = vector.shape_cast %get3A_196 : vector<1x16xf32> to vector<16xf32>
        %get3A_198 = arith.index_cast %scan3A_166 : i32 to index
        %get3A_199 = arith.constant 16 : index
        %get3A_200 = tpu.vector_load %arg12[%get3A_198, %get3A_199] {strides = array<i32>} : memref<64x128xf32, #tpu.memory_space<vmem>>, vector<1x16xf32>,
        %get3A_201 = vector.shape_cast %get3A_200 : vector<1x16xf32> to vector<16xf32>
        %get3A_202 = arith.index_cast %scan3A_166 : i32 to index
        %get3A_203 = arith.constant 16 : index
        %get3A_204 = tpu.vector_load %arg14[%get3A_202, %get3A_203] {strides = array<i32>} : memref<64x128xf32, #tpu.memory_space<vmem>>, vector<1x16xf32>,
        %get3A_205 = vector.shape_cast %get3A_204 : vector<1x16xf32> to vector<16xf32>
        %lt3A_206 = arith.constant 0.000000e+00 : f32
        %lt3A_207 = vector.broadcast %lt3A_206 : f32 to vector<16xf32>
        %lt3A_208 = arith.cmpf olt, %get3A_197, %lt3A_207 : vector<16xf32>
        %gt3A_209 = arith.constant 0.000000e+00 : f32
        %gt3A_210 = vector.broadcast %gt3A_209 : f32 to vector<16xf32>
        %gt3A_211 = arith.cmpf ogt, %get3A_205, %gt3A_210 : vector<16xf32>
        %and3A_212 = arith.andi %lt3A_208, %gt3A_211 : vector<16xi1>
        %lt3A_213 = arith.constant 0.000000e+00 : f32
        %lt3A_214 = vector.broadcast %lt3A_213 : f32 to vector<16xf32>
        %lt3A_215 = arith.cmpf olt, %get3A_201, %lt3A_214 : vector<16xf32>
        %and3A_216 = arith.andi %and3A_212, %lt3A_215 : vector<16xi1>
        %broadcast_in_dim3A_217 = arith.constant 1 : i32
        %broadcast_in_dim3A_218 = vector.broadcast %broadcast_in_dim3A_217 : i32 to vector<16xi32>
        %broadcast_in_dim3A_219 = arith.constant 0 : i32
        %broadcast_in_dim3A_220 = vector.broadcast %broadcast_in_dim3A_219 : i32 to vector<16xi32>
        %select_n3A_221 = arith.select %and3A_216, %broadcast_in_dim3A_218, %broadcast_in_dim3A_220 : vector<16xi1>, vector<16xi32>
        %swap3A_222 = arith.index_cast %scan3A_166 : i32 to index
        %swap3A_223 = arith.constant 16 : index
        %swap3A_224 = tpu.vector_load %arg16[%swap3A_222, %swap3A_223] {strides = array<i32>} : memref<64x128xi32, #tpu.memory_space<vmem>>, vector<1x16xi32>,
        %swap3A_225 = vector.shape_cast %swap3A_224 : vector<1x16xi32> to vector<16xi32>
        %swap3A_226 = vector.shape_cast %select_n3A_221 : vector<16xi32> to vector<1x16xi32>
        tpu.vector_store %arg16[%swap3A_222, %swap3A_223], %swap3A_226 {strides = array<i32>} : memref<64x128xi32, #tpu.memory_space<vmem>>, vector<1x16xi32>,
        %get3A_227 = arith.index_cast %scan3A_166 : i32 to index
        %get3A_228 = arith.constant 32 : index
        %get3A_229 = tpu.vector_load %arg10[%get3A_227, %get3A_228] {strides = array<i32>} : memref<64x128xf32, #tpu.memory_space<vmem>>, vector<1x16xf32>,
        %get3A_230 = vector.shape_cast %get3A_229 : vector<1x16xf32> to vector<16xf32>
        %get3A_231 = arith.index_cast %scan3A_166 : i32 to index
        %get3A_232 = arith.constant 32 : index
        %get3A_233 = tpu.vector_load %arg12[%get3A_231, %get3A_232] {strides = array<i32>} : memref<64x128xf32, #tpu.memory_space<vmem>>, vector<1x16xf32>,
        %get3A_234 = vector.shape_cast %get3A_233 : vector<1x16xf32> to vector<16xf32>
        %get3A_235 = arith.index_cast %scan3A_166 : i32 to index
        %get3A_236 = arith.constant 32 : index
        %get3A_237 = tpu.vector_load %arg14[%get3A_235, %get3A_236] {strides = array<i32>} : memref<64x128xf32, #tpu.memory_space<vmem>>, vector<1x16xf32>,
        %get3A_238 = vector.shape_cast %get3A_237 : vector<1x16xf32> to vector<16xf32>
        %lt3A_239 = arith.constant 0.000000e+00 : f32
        %lt3A_240 = vector.broadcast %lt3A_239 : f32 to vector<16xf32>
        %lt3A_241 = arith.cmpf olt, %get3A_230, %lt3A_240 : vector<16xf32>
        %gt3A_242 = arith.constant 0.000000e+00 : f32
        %gt3A_243 = vector.broadcast %gt3A_242 : f32 to vector<16xf32>
        %gt3A_244 = arith.cmpf ogt, %get3A_238, %gt3A_243 : vector<16xf32>
        %and3A_245 = arith.andi %lt3A_241, %gt3A_244 : vector<16xi1>
        %lt3A_246 = arith.constant 0.000000e+00 : f32
        %lt3A_247 = vector.broadcast %lt3A_246 : f32 to vector<16xf32>
        %lt3A_248 = arith.cmpf olt, %get3A_234, %lt3A_247 : vector<16xf32>
        %and3A_249 = arith.andi %and3A_245, %lt3A_248 : vector<16xi1>
        %broadcast_in_dim3A_250 = arith.constant 1 : i32
        %broadcast_in_dim3A_251 = vector.broadcast %broadcast_in_dim3A_250 : i32 to vector<16xi32>
        %broadcast_in_dim3A_252 = arith.constant 0 : i32
        %broadcast_in_dim3A_253 = vector.broadcast %broadcast_in_dim3A_252 : i32 to vector<16xi32>
        %select_n3A_254 = arith.select %and3A_249, %broadcast_in_dim3A_251, %broadcast_in_dim3A_253 : vector<16xi1>, vector<16xi32>
        %swap3A_255 = arith.index_cast %scan3A_166 : i32 to index
        %swap3A_256 = arith.constant 32 : index
        %swap3A_257 = tpu.vector_load %arg16[%swap3A_255, %swap3A_256] {strides = array<i32>} : memref<64x128xi32, #tpu.memory_space<vmem>>, vector<1x16xi32>,
        %swap3A_258 = vector.shape_cast %swap3A_257 : vector<1x16xi32> to vector<16xi32>
        %swap3A_259 = vector.shape_cast %select_n3A_254 : vector<16xi32> to vector<1x16xi32>
        tpu.vector_store %arg16[%swap3A_255, %swap3A_256], %swap3A_259 {strides = array<i32>} : memref<64x128xi32, #tpu.memory_space<vmem>>, vector<1x16xi32>,
        %get3A_260 = arith.index_cast %scan3A_166 : i32 to index
        %get3A_261 = arith.constant 48 : index
        %get3A_262 = tpu.vector_load %arg10[%get3A_260, %get3A_261] {strides = array<i32>} : memref<64x128xf32, #tpu.memory_space<vmem>>, vector<1x16xf32>,
        %get3A_263 = vector.shape_cast %get3A_262 : vector<1x16xf32> to vector<16xf32>
        %get3A_264 = arith.index_cast %scan3A_166 : i32 to index
        %get3A_265 = arith.constant 48 : index
        %get3A_266 = tpu.vector_load %arg12[%get3A_264, %get3A_265] {strides = array<i32>} : memref<64x128xf32, #tpu.memory_space<vmem>>, vector<1x16xf32>,
        %get3A_267 = vector.shape_cast %get3A_266 : vector<1x16xf32> to vector<16xf32>
        %get3A_268 = arith.index_cast %scan3A_166 : i32 to index
        %get3A_269 = arith.constant 48 : index
        %get3A_270 = tpu.vector_load %arg14[%get3A_268, %get3A_269] {strides = array<i32>} : memref<64x128xf32, #tpu.memory_space<vmem>>, vector<1x16xf32>,
        %get3A_271 = vector.shape_cast %get3A_270 : vector<1x16xf32> to vector<16xf32>
        %lt3A_272 = arith.constant 0.000000e+00 : f32
        %lt3A_273 = vector.broadcast %lt3A_272 : f32 to vector<16xf32>
        %lt3A_274 = arith.cmpf olt, %get3A_263, %lt3A_273 : vector<16xf32>
        %gt3A_275 = arith.constant 0.000000e+00 : f32
        %gt3A_276 = vector.broadcast %gt3A_275 : f32 to vector<16xf32>
        %gt3A_277 = arith.cmpf ogt, %get3A_271, %gt3A_276 : vector<16xf32>
        %and3A_278 = arith.andi %lt3A_274, %gt3A_277 : vector<16xi1>
        %lt3A_279 = arith.constant 0.000000e+00 : f32
        %lt3A_280 = vector.broadcast %lt3A_279 : f32 to vector<16xf32>
        %lt3A_281 = arith.cmpf olt, %get3A_267, %lt3A_280 : vector<16xf32>
        %and3A_282 = arith.andi %and3A_278, %lt3A_281 : vector<16xi1>
        %broadcast_in_dim3A_283 = arith.constant 1 : i32
        %broadcast_in_dim3A_284 = vector.broadcast %broadcast_in_dim3A_283 : i32 to vector<16xi32>
        %broadcast_in_dim3A_285 = arith.constant 0 : i32
        %broadcast_in_dim3A_286 = vector.broadcast %broadcast_in_dim3A_285 : i32 to vector<16xi32>
        %select_n3A_287 = arith.select %and3A_282, %broadcast_in_dim3A_284, %broadcast_in_dim3A_286 : vector<16xi1>, vector<16xi32>
        %swap3A_288 = arith.index_cast %scan3A_166 : i32 to index
        %swap3A_289 = arith.constant 48 : index
        %swap3A_290 = tpu.vector_load %arg16[%swap3A_288, %swap3A_289] {strides = array<i32>} : memref<64x128xi32, #tpu.memory_space<vmem>>, vector<1x16xi32>,
        %swap3A_291 = vector.shape_cast %swap3A_290 : vector<1x16xi32> to vector<16xi32>
        %swap3A_292 = vector.shape_cast %select_n3A_287 : vector<16xi32> to vector<1x16xi32>
        tpu.vector_store %arg16[%swap3A_288, %swap3A_289], %swap3A_292 {strides = array<i32>} : memref<64x128xi32, #tpu.memory_space<vmem>>, vector<1x16xi32>,
        %get3A_293 = arith.index_cast %scan3A_166 : i32 to index
        %get3A_294 = arith.constant 64 : index
        %get3A_295 = tpu.vector_load %arg10[%get3A_293, %get3A_294] {strides = array<i32>} : memref<64x128xf32, #tpu.memory_space<vmem>>, vector<1x16xf32>,
        %get3A_296 = vector.shape_cast %get3A_295 : vector<1x16xf32> to vector<16xf32>
        %get3A_297 = arith.index_cast %scan3A_166 : i32 to index
        %get3A_298 = arith.constant 64 : index
        %get3A_299 = tpu.vector_load %arg12[%get3A_297, %get3A_298] {strides = array<i32>} : memref<64x128xf32, #tpu.memory_space<vmem>>, vector<1x16xf32>,
        %get3A_300 = vector.shape_cast %get3A_299 : vector<1x16xf32> to vector<16xf32>
        %get3A_301 = arith.index_cast %scan3A_166 : i32 to index
        %get3A_302 = arith.constant 64 : index
        %get3A_303 = tpu.vector_load %arg14[%get3A_301, %get3A_302] {strides = array<i32>} : memref<64x128xf32, #tpu.memory_space<vmem>>, vector<1x16xf32>,
        %get3A_304 = vector.shape_cast %get3A_303 : vector<1x16xf32> to vector<16xf32>
        %lt3A_305 = arith.constant 0.000000e+00 : f32
        %lt3A_306 = vector.broadcast %lt3A_305 : f32 to vector<16xf32>
        %lt3A_307 = arith.cmpf olt, %get3A_296, %lt3A_306 : vector<16xf32>
        %gt3A_308 = arith.constant 0.000000e+00 : f32
        %gt3A_309 = vector.broadcast %gt3A_308 : f32 to vector<16xf32>
        %gt3A_310 = arith.cmpf ogt, %get3A_304, %gt3A_309 : vector<16xf32>
        %and3A_311 = arith.andi %lt3A_307, %gt3A_310 : vector<16xi1>
        %lt3A_312 = arith.constant 0.000000e+00 : f32
        %lt3A_313 = vector.broadcast %lt3A_312 : f32 to vector<16xf32>
        %lt3A_314 = arith.cmpf olt, %get3A_300, %lt3A_313 : vector<16xf32>
        %and3A_315 = arith.andi %and3A_311, %lt3A_314 : vector<16xi1>
        %broadcast_in_dim3A_316 = arith.constant 1 : i32
        %broadcast_in_dim3A_317 = vector.broadcast %broadcast_in_dim3A_316 : i32 to vector<16xi32>
        %broadcast_in_dim3A_318 = arith.constant 0 : i32
        %broadcast_in_dim3A_319 = vector.broadcast %broadcast_in_dim3A_318 : i32 to vector<16xi32>
        %select_n3A_320 = arith.select %and3A_315, %broadcast_in_dim3A_317, %broadcast_in_dim3A_319 : vector<16xi1>, vector<16xi32>
        %swap3A_321 = arith.index_cast %scan3A_166 : i32 to index
        %swap3A_322 = arith.constant 64 : index
        %swap3A_323 = tpu.vector_load %arg16[%swap3A_321, %swap3A_322] {strides = array<i32>} : memref<64x128xi32, #tpu.memory_space<vmem>>, vector<1x16xi32>,
        %swap3A_324 = vector.shape_cast %swap3A_323 : vector<1x16xi32> to vector<16xi32>
        %swap3A_325 = vector.shape_cast %select_n3A_320 : vector<16xi32> to vector<1x16xi32>
        tpu.vector_store %arg16[%swap3A_321, %swap3A_322], %swap3A_325 {strides = array<i32>} : memref<64x128xi32, #tpu.memory_space<vmem>>, vector<1x16xi32>,
        %get3A_326 = arith.index_cast %scan3A_166 : i32 to index
        %get3A_327 = arith.constant 80 : index
        %get3A_328 = tpu.vector_load %arg10[%get3A_326, %get3A_327] {strides = array<i32>} : memref<64x128xf32, #tpu.memory_space<vmem>>, vector<1x16xf32>,
        %get3A_329 = vector.shape_cast %get3A_328 : vector<1x16xf32> to vector<16xf32>
        %get3A_330 = arith.index_cast %scan3A_166 : i32 to index
        %get3A_331 = arith.constant 80 : index
        %get3A_332 = tpu.vector_load %arg12[%get3A_330, %get3A_331] {strides = array<i32>} : memref<64x128xf32, #tpu.memory_space<vmem>>, vector<1x16xf32>,
        %get3A_333 = vector.shape_cast %get3A_332 : vector<1x16xf32> to vector<16xf32>
        %get3A_334 = arith.index_cast %scan3A_166 : i32 to index
        %get3A_335 = arith.constant 80 : index
        %get3A_336 = tpu.vector_load %arg14[%get3A_334, %get3A_335] {strides = array<i32>} : memref<64x128xf32, #tpu.memory_space<vmem>>, vector<1x16xf32>,
        %get3A_337 = vector.shape_cast %get3A_336 : vector<1x16xf32> to vector<16xf32>
        %lt3A_338 = arith.constant 0.000000e+00 : f32
        %lt3A_339 = vector.broadcast %lt3A_338 : f32 to vector<16xf32>
        %lt3A_340 = arith.cmpf olt, %get3A_329, %lt3A_339 : vector<16xf32>
        %gt3A_341 = arith.constant 0.000000e+00 : f32
        %gt3A_342 = vector.broadcast %gt3A_341 : f32 to vector<16xf32>
        %gt3A_343 = arith.cmpf ogt, %get3A_337, %gt3A_342 : vector<16xf32>
        %and3A_344 = arith.andi %lt3A_340, %gt3A_343 : vector<16xi1>
        %lt3A_345 = arith.constant 0.000000e+00 : f32
        %lt3A_346 = vector.broadcast %lt3A_345 : f32 to vector<16xf32>
        %lt3A_347 = arith.cmpf olt, %get3A_333, %lt3A_346 : vector<16xf32>
        %and3A_348 = arith.andi %and3A_344, %lt3A_347 : vector<16xi1>
        %broadcast_in_dim3A_349 = arith.constant 1 : i32
        %broadcast_in_dim3A_350 = vector.broadcast %broadcast_in_dim3A_349 : i32 to vector<16xi32>
        %broadcast_in_dim3A_351 = arith.constant 0 : i32
        %broadcast_in_dim3A_352 = vector.broadcast %broadcast_in_dim3A_351 : i32 to vector<16xi32>
        %select_n3A_353 = arith.select %and3A_348, %broadcast_in_dim3A_350, %broadcast_in_dim3A_352 : vector<16xi1>, vector<16xi32>
        %swap3A_354 = arith.index_cast %scan3A_166 : i32 to index
        %swap3A_355 = arith.constant 80 : index
        %swap3A_356 = tpu.vector_load %arg16[%swap3A_354, %swap3A_355] {strides = array<i32>} : memref<64x128xi32, #tpu.memory_space<vmem>>, vector<1x16xi32>,
        %swap3A_357 = vector.shape_cast %swap3A_356 : vector<1x16xi32> to vector<16xi32>
        %swap3A_358 = vector.shape_cast %select_n3A_353 : vector<16xi32> to vector<1x16xi32>
        tpu.vector_store %arg16[%swap3A_354, %swap3A_355], %swap3A_358 {strides = array<i32>} : memref<64x128xi32, #tpu.memory_space<vmem>>, vector<1x16xi32>,
        %get3A_359 = arith.index_cast %scan3A_166 : i32 to index
        %get3A_360 = arith.constant 96 : index
        %get3A_361 = tpu.vector_load %arg10[%get3A_359, %get3A_360] {strides = array<i32>} : memref<64x128xf32, #tpu.memory_space<vmem>>, vector<1x16xf32>,
        %get3A_362 = vector.shape_cast %get3A_361 : vector<1x16xf32> to vector<16xf32>
        %get3A_363 = arith.index_cast %scan3A_166 : i32 to index
        %get3A_364 = arith.constant 96 : index
        %get3A_365 = tpu.vector_load %arg12[%get3A_363, %get3A_364] {strides = array<i32>} : memref<64x128xf32, #tpu.memory_space<vmem>>, vector<1x16xf32>,
        %get3A_366 = vector.shape_cast %get3A_365 : vector<1x16xf32> to vector<16xf32>
        %get3A_367 = arith.index_cast %scan3A_166 : i32 to index
        %get3A_368 = arith.constant 96 : index
        %get3A_369 = tpu.vector_load %arg14[%get3A_367, %get3A_368] {strides = array<i32>} : memref<64x128xf32, #tpu.memory_space<vmem>>, vector<1x16xf32>,
        %get3A_370 = vector.shape_cast %get3A_369 : vector<1x16xf32> to vector<16xf32>
        %lt3A_371 = arith.constant 0.000000e+00 : f32
        %lt3A_372 = vector.broadcast %lt3A_371 : f32 to vector<16xf32>
        %lt3A_373 = arith.cmpf olt, %get3A_362, %lt3A_372 : vector<16xf32>
        %gt3A_374 = arith.constant 0.000000e+00 : f32
        %gt3A_375 = vector.broadcast %gt3A_374 : f32 to vector<16xf32>
        %gt3A_376 = arith.cmpf ogt, %get3A_370, %gt3A_375 : vector<16xf32>
        %and3A_377 = arith.andi %lt3A_373, %gt3A_376 : vector<16xi1>
        %lt3A_378 = arith.constant 0.000000e+00 : f32
        %lt3A_379 = vector.broadcast %lt3A_378 : f32 to vector<16xf32>
        %lt3A_380 = arith.cmpf olt, %get3A_366, %lt3A_379 : vector<16xf32>
        %and3A_381 = arith.andi %and3A_377, %lt3A_380 : vector<16xi1>
        %broadcast_in_dim3A_382 = arith.constant 1 : i32
        %broadcast_in_dim3A_383 = vector.broadcast %broadcast_in_dim3A_382 : i32 to vector<16xi32>
        %broadcast_in_dim3A_384 = arith.constant 0 : i32
        %broadcast_in_dim3A_385 = vector.broadcast %broadcast_in_dim3A_384 : i32 to vector<16xi32>
        %select_n3A_386 = arith.select %and3A_381, %broadcast_in_dim3A_383, %broadcast_in_dim3A_385 : vector<16xi1>, vector<16xi32>
        %swap3A_387 = arith.index_cast %scan3A_166 : i32 to index
        %swap3A_388 = arith.constant 96 : index
        %swap3A_389 = tpu.vector_load %arg16[%swap3A_387, %swap3A_388] {strides = array<i32>} : memref<64x128xi32, #tpu.memory_space<vmem>>, vector<1x16xi32>,
        %swap3A_390 = vector.shape_cast %swap3A_389 : vector<1x16xi32> to vector<16xi32>
        %swap3A_391 = vector.shape_cast %select_n3A_386 : vector<16xi32> to vector<1x16xi32>
        tpu.vector_store %arg16[%swap3A_387, %swap3A_388], %swap3A_391 {strides = array<i32>} : memref<64x128xi32, #tpu.memory_space<vmem>>, vector<1x16xi32>,
        %get3A_392 = arith.index_cast %scan3A_166 : i32 to index
        %get3A_393 = arith.constant 112 : index
        %get3A_394 = tpu.vector_load %arg10[%get3A_392, %get3A_393] {strides = array<i32>} : memref<64x128xf32, #tpu.memory_space<vmem>>, vector<1x16xf32>,
        %get3A_395 = vector.shape_cast %get3A_394 : vector<1x16xf32> to vector<16xf32>
        %get3A_396 = arith.index_cast %scan3A_166 : i32 to index
        %get3A_397 = arith.constant 112 : index
        %get3A_398 = tpu.vector_load %arg12[%get3A_396, %get3A_397] {strides = array<i32>} : memref<64x128xf32, #tpu.memory_space<vmem>>, vector<1x16xf32>,
        %get3A_399 = vector.shape_cast %get3A_398 : vector<1x16xf32> to vector<16xf32>
        %get3A_400 = arith.index_cast %scan3A_166 : i32 to index
        %get3A_401 = arith.constant 112 : index
        %get3A_402 = tpu.vector_load %arg14[%get3A_400, %get3A_401] {strides = array<i32>} : memref<64x128xf32, #tpu.memory_space<vmem>>, vector<1x16xf32>,
        %get3A_403 = vector.shape_cast %get3A_402 : vector<1x16xf32> to vector<16xf32>
        %lt3A_404 = arith.constant 0.000000e+00 : f32
        %lt3A_405 = vector.broadcast %lt3A_404 : f32 to vector<16xf32>
        %lt3A_406 = arith.cmpf olt, %get3A_395, %lt3A_405 : vector<16xf32>
        %gt3A_407 = arith.constant 0.000000e+00 : f32
        %gt3A_408 = vector.broadcast %gt3A_407 : f32 to vector<16xf32>
        %gt3A_409 = arith.cmpf ogt, %get3A_403, %gt3A_408 : vector<16xf32>
        %and3A_410 = arith.andi %lt3A_406, %gt3A_409 : vector<16xi1>
        %lt3A_411 = arith.constant 0.000000e+00 : f32
        %lt3A_412 = vector.broadcast %lt3A_411 : f32 to vector<16xf32>
        %lt3A_413 = arith.cmpf olt, %get3A_399, %lt3A_412 : vector<16xf32>
        %and3A_414 = arith.andi %and3A_410, %lt3A_413 : vector<16xi1>
        %broadcast_in_dim3A_415 = arith.constant 1 : i32
        %broadcast_in_dim3A_416 = vector.broadcast %broadcast_in_dim3A_415 : i32 to vector<16xi32>
        %broadcast_in_dim3A_417 = arith.constant 0 : i32
        %broadcast_in_dim3A_418 = vector.broadcast %broadcast_in_dim3A_417 : i32 to vector<16xi32>
        %select_n3A_419 = arith.select %and3A_414, %broadcast_in_dim3A_416, %broadcast_in_dim3A_418 : vector<16xi1>, vector<16xi32>
        %swap3A_420 = arith.index_cast %scan3A_166 : i32 to index
        %swap3A_421 = arith.constant 112 : index
        %swap3A_422 = tpu.vector_load %arg16[%swap3A_420, %swap3A_421] {strides = array<i32>} : memref<64x128xi32, #tpu.memory_space<vmem>>, vector<1x16xi32>,
        %swap3A_423 = vector.shape_cast %swap3A_422 : vector<1x16xi32> to vector<16xi32>
        %swap3A_424 = vector.shape_cast %select_n3A_419 : vector<16xi32> to vector<1x16xi32>
        tpu.vector_store %arg16[%swap3A_420, %swap3A_421], %swap3A_424 {strides = array<i32>} : memref<64x128xi32, #tpu.memory_space<vmem>>, vector<1x16xi32>,
      }
      %scan3A_75 = arith.constant 64 : i32
      %mul3A_76 = arith.constant 64 : i32
      %mul3A_77 = arith.muli %mul3A_41, %mul3A_76 : i32
      %add3A_78 = arith.addi %mul3A_2, %mul3A_77 : i32
      %dma_start3A_79 = arith.constant 0 : i32
      %dma_start3A_80 = tpu.memref_slice %arg8[%add3A_78, %dma_start3A_79] : memref<16384x128xi32, #tpu.memory_space<hbm>> -> memref<64x128xi32, #tpu.memory_space<hbm>>
      %dma_start3A_81 = arith.constant 0 : i32
      %dma_start3A_82 = tpu.memref_slice %arg8[%add3A_78, %dma_start3A_81] : memref<16384x128xi32, #tpu.memory_space<hbm>> -> memref<64x128xi32, #tpu.memory_space<hbm>>
      tpu.enqueue_dma source(%arg16 : memref<64x128xi32, #tpu.memory_space<vmem>>) target(%dma_start3A_82 : memref<64x128xi32, #tpu.memory_space<hbm>>) target_semaphore(%arg19 : memref<!tpu.dma_semaphore, #tpu.memory_space<semaphore_mem>>)
      %mul3A_83 = arith.constant 64 : i32
      %mul3A_84 = arith.muli %add3A_43, %mul3A_83 : i32
      %mul3A_85 = arith.constant 64 : i32
      %mul3A_86 = arith.muli %add3A_43, %mul3A_85 : i32
      %add3A_87 = arith.addi %mul3A_2, %mul3A_86 : i32
      %dma_wait3A_88 = tpu.memref_slice %arg9[%mul3A_84] : memref<512xi32, #tpu.memory_space<vmem>> -> memref<64xi32, #tpu.memory_space<vmem>>
      %dma_wait3A_89 = arith.constant 0 : i32
      %dma_wait3A_90 = arith.constant 0 : i32
      %dma_wait3A_91 = tpu.memref_slice %arg2[%dma_wait3A_89, %dma_wait3A_90] : memref<100000x128xf32, #tpu.memory_space<hbm>> -> memref<100000x128xf32, #tpu.memory_space<hbm>>
      tpu.wait_indirect_dma semaphore(%arg18 : memref<!tpu.dma_semaphore, #tpu.memory_space<semaphore_mem>>) src(%dma_wait3A_91 : memref<100000x128xf32, #tpu.memory_space<hbm>>) dst(%arg11 : memref<64x128xf32, #tpu.memory_space<vmem>>)
      %dma_wait3A_92 = tpu.memref_slice %arg9[%mul3A_84] : memref<512xi32, #tpu.memory_space<vmem>> -> memref<64xi32, #tpu.memory_space<vmem>>
      %dma_wait3A_93 = arith.constant 0 : i32
      %dma_wait3A_94 = arith.constant 0 : i32
      %dma_wait3A_95 = tpu.memref_slice %arg3[%dma_wait3A_93, %dma_wait3A_94] : memref<100000x128xf32, #tpu.memory_space<hbm>> -> memref<100000x128xf32, #tpu.memory_space<hbm>>
      tpu.wait_indirect_dma semaphore(%arg18 : memref<!tpu.dma_semaphore, #tpu.memory_space<semaphore_mem>>) src(%dma_wait3A_95 : memref<100000x128xf32, #tpu.memory_space<hbm>>) dst(%arg13 : memref<64x128xf32, #tpu.memory_space<vmem>>)
      %dma_wait3A_96 = arith.constant 0 : i32
      %dma_wait3A_97 = tpu.memref_slice %arg5[%add3A_87, %dma_wait3A_96] : memref<16384x128xf32, #tpu.memory_space<hbm>> -> memref<64x128xf32, #tpu.memory_space<hbm>>
      %dma_wait3A_98 = arith.constant 0 : i32
      %dma_wait3A_99 = tpu.memref_slice %arg5[%add3A_87, %dma_wait3A_98] : memref<16384x128xf32, #tpu.memory_space<hbm>> -> memref<64x128xf32, #tpu.memory_space<hbm>>
      tpu.wait_dma2 semaphore(%arg18 : memref<!tpu.dma_semaphore, #tpu.memory_space<semaphore_mem>>) src(%dma_wait3A_99 : memref<64x128xf32, #tpu.memory_space<hbm>>) dst(%arg15 : memref<64x128xf32, #tpu.memory_space<vmem>>)
      %mul3A_100 = arith.constant 64 : i32
      %mul3A_101 = arith.muli %add3A_43, %mul3A_100 : i32
      %add3A_102 = arith.addi %mul3A_2, %mul3A_101 : i32
      %dma_start3A_103 = arith.constant 0 : i32
      %dma_start3A_104 = tpu.memref_slice %arg6[%add3A_102, %dma_start3A_103] : memref<16384x128xf32, #tpu.memory_space<hbm>> -> memref<64x128xf32, #tpu.memory_space<hbm>>
      %dma_start3A_105 = arith.constant 0 : i32
      %dma_start3A_106 = tpu.memref_slice %arg6[%add3A_102, %dma_start3A_105] : memref<16384x128xf32, #tpu.memory_space<hbm>> -> memref<64x128xf32, #tpu.memory_space<hbm>>
      tpu.enqueue_dma source(%arg11 : memref<64x128xf32, #tpu.memory_space<vmem>>) target(%dma_start3A_106 : memref<64x128xf32, #tpu.memory_space<hbm>>) target_semaphore(%arg19 : memref<!tpu.dma_semaphore, #tpu.memory_space<semaphore_mem>>)
      %dma_start3A_107 = arith.constant 0 : i32
      %dma_start3A_108 = tpu.memref_slice %arg7[%add3A_102, %dma_start3A_107] : memref<16384x128xf32, #tpu.memory_space<hbm>> -> memref<64x128xf32, #tpu.memory_space<hbm>>
      %dma_start3A_109 = arith.constant 0 : i32
      %dma_start3A_110 = tpu.memref_slice %arg7[%add3A_102, %dma_start3A_109] : memref<16384x128xf32, #tpu.memory_space<hbm>> -> memref<64x128xf32, #tpu.memory_space<hbm>>
      tpu.enqueue_dma source(%arg13 : memref<64x128xf32, #tpu.memory_space<vmem>>) target(%dma_start3A_110 : memref<64x128xf32, #tpu.memory_space<hbm>>) target_semaphore(%arg19 : memref<!tpu.dma_semaphore, #tpu.memory_space<semaphore_mem>>)
      %scan3A_111 = arith.constant 0 : i32
      %scan3A_112 = arith.constant 64 : i32
      %scan3A_113 = arith.addi %scan3A_111, %scan3A_112 : i32
      %scan3A_114 = arith.constant 1 : i32
      scf.for %scan3A_166 = %scan3A_111 to %scan3A_113 step %scan3A_114  : i32 {
        %get3A = arith.index_cast %scan3A_166 : i32 to index
        %get3A_167 = arith.constant 0 : index
        %get3A_168 = tpu.vector_load %arg11[%get3A, %get3A_167] {strides = array<i32>} : memref<64x128xf32, #tpu.memory_space<vmem>>, vector<1x16xf32>,
        %get3A_169 = vector.shape_cast %get3A_168 : vector<1x16xf32> to vector<16xf32>
        %get3A_170 = arith.index_cast %scan3A_166 : i32 to index
        %get3A_171 = arith.constant 0 : index
        %get3A_172 = tpu.vector_load %arg13[%get3A_170, %get3A_171] {strides = array<i32>} : memref<64x128xf32, #tpu.memory_space<vmem>>, vector<1x16xf32>,
        %get3A_173 = vector.shape_cast %get3A_172 : vector<1x16xf32> to vector<16xf32>
        %get3A_174 = arith.index_cast %scan3A_166 : i32 to index
        %get3A_175 = arith.constant 0 : index
        %get3A_176 = tpu.vector_load %arg15[%get3A_174, %get3A_175] {strides = array<i32>} : memref<64x128xf32, #tpu.memory_space<vmem>>, vector<1x16xf32>,
        %get3A_177 = vector.shape_cast %get3A_176 : vector<1x16xf32> to vector<16xf32>
        %lt3A_178 = arith.constant 0.000000e+00 : f32
        %lt3A_179 = vector.broadcast %lt3A_178 : f32 to vector<16xf32>
        %lt3A_180 = arith.cmpf olt, %get3A_169, %lt3A_179 : vector<16xf32>
        %gt3A = arith.constant 0.000000e+00 : f32
        %gt3A_181 = vector.broadcast %gt3A : f32 to vector<16xf32>
        %gt3A_182 = arith.cmpf ogt, %get3A_177, %gt3A_181 : vector<16xf32>
        %and3A = arith.andi %lt3A_180, %gt3A_182 : vector<16xi1>
        %lt3A_183 = arith.constant 0.000000e+00 : f32
        %lt3A_184 = vector.broadcast %lt3A_183 : f32 to vector<16xf32>
        %lt3A_185 = arith.cmpf olt, %get3A_173, %lt3A_184 : vector<16xf32>
        %and3A_186 = arith.andi %and3A, %lt3A_185 : vector<16xi1>
        %broadcast_in_dim3A = arith.constant 1 : i32
        %broadcast_in_dim3A_187 = vector.broadcast %broadcast_in_dim3A : i32 to vector<16xi32>
        %broadcast_in_dim3A_188 = arith.constant 0 : i32
        %broadcast_in_dim3A_189 = vector.broadcast %broadcast_in_dim3A_188 : i32 to vector<16xi32>
        %select_n3A = arith.select %and3A_186, %broadcast_in_dim3A_187, %broadcast_in_dim3A_189 : vector<16xi1>, vector<16xi32>
        %swap3A = arith.index_cast %scan3A_166 : i32 to index
        %swap3A_190 = arith.constant 0 : index
        %swap3A_191 = tpu.vector_load %arg17[%swap3A, %swap3A_190] {strides = array<i32>} : memref<64x128xi32, #tpu.memory_space<vmem>>, vector<1x16xi32>,
        %swap3A_192 = vector.shape_cast %swap3A_191 : vector<1x16xi32> to vector<16xi32>
        %swap3A_193 = vector.shape_cast %select_n3A : vector<16xi32> to vector<1x16xi32>
        tpu.vector_store %arg17[%swap3A, %swap3A_190], %swap3A_193 {strides = array<i32>} : memref<64x128xi32, #tpu.memory_space<vmem>>, vector<1x16xi32>,
        %get3A_194 = arith.index_cast %scan3A_166 : i32 to index
        %get3A_195 = arith.constant 16 : index
        %get3A_196 = tpu.vector_load %arg11[%get3A_194, %get3A_195] {strides = array<i32>} : memref<64x128xf32, #tpu.memory_space<vmem>>, vector<1x16xf32>,
        %get3A_197 = vector.shape_cast %get3A_196 : vector<1x16xf32> to vector<16xf32>
        %get3A_198 = arith.index_cast %scan3A_166 : i32 to index
        %get3A_199 = arith.constant 16 : index
        %get3A_200 = tpu.vector_load %arg13[%get3A_198, %get3A_199] {strides = array<i32>} : memref<64x128xf32, #tpu.memory_space<vmem>>, vector<1x16xf32>,
        %get3A_201 = vector.shape_cast %get3A_200 : vector<1x16xf32> to vector<16xf32>
        %get3A_202 = arith.index_cast %scan3A_166 : i32 to index
        %get3A_203 = arith.constant 16 : index
        %get3A_204 = tpu.vector_load %arg15[%get3A_202, %get3A_203] {strides = array<i32>} : memref<64x128xf32, #tpu.memory_space<vmem>>, vector<1x16xf32>,
        %get3A_205 = vector.shape_cast %get3A_204 : vector<1x16xf32> to vector<16xf32>
        %lt3A_206 = arith.constant 0.000000e+00 : f32
        %lt3A_207 = vector.broadcast %lt3A_206 : f32 to vector<16xf32>
        %lt3A_208 = arith.cmpf olt, %get3A_197, %lt3A_207 : vector<16xf32>
        %gt3A_209 = arith.constant 0.000000e+00 : f32
        %gt3A_210 = vector.broadcast %gt3A_209 : f32 to vector<16xf32>
        %gt3A_211 = arith.cmpf ogt, %get3A_205, %gt3A_210 : vector<16xf32>
        %and3A_212 = arith.andi %lt3A_208, %gt3A_211 : vector<16xi1>
        %lt3A_213 = arith.constant 0.000000e+00 : f32
        %lt3A_214 = vector.broadcast %lt3A_213 : f32 to vector<16xf32>
        %lt3A_215 = arith.cmpf olt, %get3A_201, %lt3A_214 : vector<16xf32>
        %and3A_216 = arith.andi %and3A_212, %lt3A_215 : vector<16xi1>
        %broadcast_in_dim3A_217 = arith.constant 1 : i32
        %broadcast_in_dim3A_218 = vector.broadcast %broadcast_in_dim3A_217 : i32 to vector<16xi32>
        %broadcast_in_dim3A_219 = arith.constant 0 : i32
        %broadcast_in_dim3A_220 = vector.broadcast %broadcast_in_dim3A_219 : i32 to vector<16xi32>
        %select_n3A_221 = arith.select %and3A_216, %broadcast_in_dim3A_218, %broadcast_in_dim3A_220 : vector<16xi1>, vector<16xi32>
        %swap3A_222 = arith.index_cast %scan3A_166 : i32 to index
        %swap3A_223 = arith.constant 16 : index
        %swap3A_224 = tpu.vector_load %arg17[%swap3A_222, %swap3A_223] {strides = array<i32>} : memref<64x128xi32, #tpu.memory_space<vmem>>, vector<1x16xi32>,
        %swap3A_225 = vector.shape_cast %swap3A_224 : vector<1x16xi32> to vector<16xi32>
        %swap3A_226 = vector.shape_cast %select_n3A_221 : vector<16xi32> to vector<1x16xi32>
        tpu.vector_store %arg17[%swap3A_222, %swap3A_223], %swap3A_226 {strides = array<i32>} : memref<64x128xi32, #tpu.memory_space<vmem>>, vector<1x16xi32>,
        %get3A_227 = arith.index_cast %scan3A_166 : i32 to index
        %get3A_228 = arith.constant 32 : index
        %get3A_229 = tpu.vector_load %arg11[%get3A_227, %get3A_228] {strides = array<i32>} : memref<64x128xf32, #tpu.memory_space<vmem>>, vector<1x16xf32>,
        %get3A_230 = vector.shape_cast %get3A_229 : vector<1x16xf32> to vector<16xf32>
        %get3A_231 = arith.index_cast %scan3A_166 : i32 to index
        %get3A_232 = arith.constant 32 : index
        %get3A_233 = tpu.vector_load %arg13[%get3A_231, %get3A_232] {strides = array<i32>} : memref<64x128xf32, #tpu.memory_space<vmem>>, vector<1x16xf32>,
        %get3A_234 = vector.shape_cast %get3A_233 : vector<1x16xf32> to vector<16xf32>
        %get3A_235 = arith.index_cast %scan3A_166 : i32 to index
        %get3A_236 = arith.constant 32 : index
        %get3A_237 = tpu.vector_load %arg15[%get3A_235, %get3A_236] {strides = array<i32>} : memref<64x128xf32, #tpu.memory_space<vmem>>, vector<1x16xf32>,
        %get3A_238 = vector.shape_cast %get3A_237 : vector<1x16xf32> to vector<16xf32>
        %lt3A_239 = arith.constant 0.000000e+00 : f32
        %lt3A_240 = vector.broadcast %lt3A_239 : f32 to vector<16xf32>
        %lt3A_241 = arith.cmpf olt, %get3A_230, %lt3A_240 : vector<16xf32>
        %gt3A_242 = arith.constant 0.000000e+00 : f32
        %gt3A_243 = vector.broadcast %gt3A_242 : f32 to vector<16xf32>
        %gt3A_244 = arith.cmpf ogt, %get3A_238, %gt3A_243 : vector<16xf32>
        %and3A_245 = arith.andi %lt3A_241, %gt3A_244 : vector<16xi1>
        %lt3A_246 = arith.constant 0.000000e+00 : f32
        %lt3A_247 = vector.broadcast %lt3A_246 : f32 to vector<16xf32>
        %lt3A_248 = arith.cmpf olt, %get3A_234, %lt3A_247 : vector<16xf32>
        %and3A_249 = arith.andi %and3A_245, %lt3A_248 : vector<16xi1>
        %broadcast_in_dim3A_250 = arith.constant 1 : i32
        %broadcast_in_dim3A_251 = vector.broadcast %broadcast_in_dim3A_250 : i32 to vector<16xi32>
        %broadcast_in_dim3A_252 = arith.constant 0 : i32
        %broadcast_in_dim3A_253 = vector.broadcast %broadcast_in_dim3A_252 : i32 to vector<16xi32>
        %select_n3A_254 = arith.select %and3A_249, %broadcast_in_dim3A_251, %broadcast_in_dim3A_253 : vector<16xi1>, vector<16xi32>
        %swap3A_255 = arith.index_cast %scan3A_166 : i32 to index
        %swap3A_256 = arith.constant 32 : index
        %swap3A_257 = tpu.vector_load %arg17[%swap3A_255, %swap3A_256] {strides = array<i32>} : memref<64x128xi32, #tpu.memory_space<vmem>>, vector<1x16xi32>,
        %swap3A_258 = vector.shape_cast %swap3A_257 : vector<1x16xi32> to vector<16xi32>
        %swap3A_259 = vector.shape_cast %select_n3A_254 : vector<16xi32> to vector<1x16xi32>
        tpu.vector_store %arg17[%swap3A_255, %swap3A_256], %swap3A_259 {strides = array<i32>} : memref<64x128xi32, #tpu.memory_space<vmem>>, vector<1x16xi32>,
        %get3A_260 = arith.index_cast %scan3A_166 : i32 to index
        %get3A_261 = arith.constant 48 : index
        %get3A_262 = tpu.vector_load %arg11[%get3A_260, %get3A_261] {strides = array<i32>} : memref<64x128xf32, #tpu.memory_space<vmem>>, vector<1x16xf32>,
        %get3A_263 = vector.shape_cast %get3A_262 : vector<1x16xf32> to vector<16xf32>
        %get3A_264 = arith.index_cast %scan3A_166 : i32 to index
        %get3A_265 = arith.constant 48 : index
        %get3A_266 = tpu.vector_load %arg13[%get3A_264, %get3A_265] {strides = array<i32>} : memref<64x128xf32, #tpu.memory_space<vmem>>, vector<1x16xf32>,
        %get3A_267 = vector.shape_cast %get3A_266 : vector<1x16xf32> to vector<16xf32>
        %get3A_268 = arith.index_cast %scan3A_166 : i32 to index
        %get3A_269 = arith.constant 48 : index
        %get3A_270 = tpu.vector_load %arg15[%get3A_268, %get3A_269] {strides = array<i32>} : memref<64x128xf32, #tpu.memory_space<vmem>>, vector<1x16xf32>,
        %get3A_271 = vector.shape_cast %get3A_270 : vector<1x16xf32> to vector<16xf32>
        %lt3A_272 = arith.constant 0.000000e+00 : f32
        %lt3A_273 = vector.broadcast %lt3A_272 : f32 to vector<16xf32>
        %lt3A_274 = arith.cmpf olt, %get3A_263, %lt3A_273 : vector<16xf32>
        %gt3A_275 = arith.constant 0.000000e+00 : f32
        %gt3A_276 = vector.broadcast %gt3A_275 : f32 to vector<16xf32>
        %gt3A_277 = arith.cmpf ogt, %get3A_271, %gt3A_276 : vector<16xf32>
        %and3A_278 = arith.andi %lt3A_274, %gt3A_277 : vector<16xi1>
        %lt3A_279 = arith.constant 0.000000e+00 : f32
        %lt3A_280 = vector.broadcast %lt3A_279 : f32 to vector<16xf32>
        %lt3A_281 = arith.cmpf olt, %get3A_267, %lt3A_280 : vector<16xf32>
        %and3A_282 = arith.andi %and3A_278, %lt3A_281 : vector<16xi1>
        %broadcast_in_dim3A_283 = arith.constant 1 : i32
        %broadcast_in_dim3A_284 = vector.broadcast %broadcast_in_dim3A_283 : i32 to vector<16xi32>
        %broadcast_in_dim3A_285 = arith.constant 0 : i32
        %broadcast_in_dim3A_286 = vector.broadcast %broadcast_in_dim3A_285 : i32 to vector<16xi32>
        %select_n3A_287 = arith.select %and3A_282, %broadcast_in_dim3A_284, %broadcast_in_dim3A_286 : vector<16xi1>, vector<16xi32>
        %swap3A_288 = arith.index_cast %scan3A_166 : i32 to index
        %swap3A_289 = arith.constant 48 : index
        %swap3A_290 = tpu.vector_load %arg17[%swap3A_288, %swap3A_289] {strides = array<i32>} : memref<64x128xi32, #tpu.memory_space<vmem>>, vector<1x16xi32>,
        %swap3A_291 = vector.shape_cast %swap3A_290 : vector<1x16xi32> to vector<16xi32>
        %swap3A_292 = vector.shape_cast %select_n3A_287 : vector<16xi32> to vector<1x16xi32>
        tpu.vector_store %arg17[%swap3A_288, %swap3A_289], %swap3A_292 {strides = array<i32>} : memref<64x128xi32, #tpu.memory_space<vmem>>, vector<1x16xi32>,
        %get3A_293 = arith.index_cast %scan3A_166 : i32 to index
        %get3A_294 = arith.constant 64 : index
        %get3A_295 = tpu.vector_load %arg11[%get3A_293, %get3A_294] {strides = array<i32>} : memref<64x128xf32, #tpu.memory_space<vmem>>, vector<1x16xf32>,
        %get3A_296 = vector.shape_cast %get3A_295 : vector<1x16xf32> to vector<16xf32>
        %get3A_297 = arith.index_cast %scan3A_166 : i32 to index
        %get3A_298 = arith.constant 64 : index
        %get3A_299 = tpu.vector_load %arg13[%get3A_297, %get3A_298] {strides = array<i32>} : memref<64x128xf32, #tpu.memory_space<vmem>>, vector<1x16xf32>,
        %get3A_300 = vector.shape_cast %get3A_299 : vector<1x16xf32> to vector<16xf32>
        %get3A_301 = arith.index_cast %scan3A_166 : i32 to index
        %get3A_302 = arith.constant 64 : index
        %get3A_303 = tpu.vector_load %arg15[%get3A_301, %get3A_302] {strides = array<i32>} : memref<64x128xf32, #tpu.memory_space<vmem>>, vector<1x16xf32>,
        %get3A_304 = vector.shape_cast %get3A_303 : vector<1x16xf32> to vector<16xf32>
        %lt3A_305 = arith.constant 0.000000e+00 : f32
        %lt3A_306 = vector.broadcast %lt3A_305 : f32 to vector<16xf32>
        %lt3A_307 = arith.cmpf olt, %get3A_296, %lt3A_306 : vector<16xf32>
        %gt3A_308 = arith.constant 0.000000e+00 : f32
        %gt3A_309 = vector.broadcast %gt3A_308 : f32 to vector<16xf32>
        %gt3A_310 = arith.cmpf ogt, %get3A_304, %gt3A_309 : vector<16xf32>
        %and3A_311 = arith.andi %lt3A_307, %gt3A_310 : vector<16xi1>
        %lt3A_312 = arith.constant 0.000000e+00 : f32
        %lt3A_313 = vector.broadcast %lt3A_312 : f32 to vector<16xf32>
        %lt3A_314 = arith.cmpf olt, %get3A_300, %lt3A_313 : vector<16xf32>
        %and3A_315 = arith.andi %and3A_311, %lt3A_314 : vector<16xi1>
        %broadcast_in_dim3A_316 = arith.constant 1 : i32
        %broadcast_in_dim3A_317 = vector.broadcast %broadcast_in_dim3A_316 : i32 to vector<16xi32>
        %broadcast_in_dim3A_318 = arith.constant 0 : i32
        %broadcast_in_dim3A_319 = vector.broadcast %broadcast_in_dim3A_318 : i32 to vector<16xi32>
        %select_n3A_320 = arith.select %and3A_315, %broadcast_in_dim3A_317, %broadcast_in_dim3A_319 : vector<16xi1>, vector<16xi32>
        %swap3A_321 = arith.index_cast %scan3A_166 : i32 to index
        %swap3A_322 = arith.constant 64 : index
        %swap3A_323 = tpu.vector_load %arg17[%swap3A_321, %swap3A_322] {strides = array<i32>} : memref<64x128xi32, #tpu.memory_space<vmem>>, vector<1x16xi32>,
        %swap3A_324 = vector.shape_cast %swap3A_323 : vector<1x16xi32> to vector<16xi32>
        %swap3A_325 = vector.shape_cast %select_n3A_320 : vector<16xi32> to vector<1x16xi32>
        tpu.vector_store %arg17[%swap3A_321, %swap3A_322], %swap3A_325 {strides = array<i32>} : memref<64x128xi32, #tpu.memory_space<vmem>>, vector<1x16xi32>,
        %get3A_326 = arith.index_cast %scan3A_166 : i32 to index
        %get3A_327 = arith.constant 80 : index
        %get3A_328 = tpu.vector_load %arg11[%get3A_326, %get3A_327] {strides = array<i32>} : memref<64x128xf32, #tpu.memory_space<vmem>>, vector<1x16xf32>,
        %get3A_329 = vector.shape_cast %get3A_328 : vector<1x16xf32> to vector<16xf32>
        %get3A_330 = arith.index_cast %scan3A_166 : i32 to index
        %get3A_331 = arith.constant 80 : index
        %get3A_332 = tpu.vector_load %arg13[%get3A_330, %get3A_331] {strides = array<i32>} : memref<64x128xf32, #tpu.memory_space<vmem>>, vector<1x16xf32>,
        %get3A_333 = vector.shape_cast %get3A_332 : vector<1x16xf32> to vector<16xf32>
        %get3A_334 = arith.index_cast %scan3A_166 : i32 to index
        %get3A_335 = arith.constant 80 : index
        %get3A_336 = tpu.vector_load %arg15[%get3A_334, %get3A_335] {strides = array<i32>} : memref<64x128xf32, #tpu.memory_space<vmem>>, vector<1x16xf32>,
        %get3A_337 = vector.shape_cast %get3A_336 : vector<1x16xf32> to vector<16xf32>
        %lt3A_338 = arith.constant 0.000000e+00 : f32
        %lt3A_339 = vector.broadcast %lt3A_338 : f32 to vector<16xf32>
        %lt3A_340 = arith.cmpf olt, %get3A_329, %lt3A_339 : vector<16xf32>
        %gt3A_341 = arith.constant 0.000000e+00 : f32
        %gt3A_342 = vector.broadcast %gt3A_341 : f32 to vector<16xf32>
        %gt3A_343 = arith.cmpf ogt, %get3A_337, %gt3A_342 : vector<16xf32>
        %and3A_344 = arith.andi %lt3A_340, %gt3A_343 : vector<16xi1>
        %lt3A_345 = arith.constant 0.000000e+00 : f32
        %lt3A_346 = vector.broadcast %lt3A_345 : f32 to vector<16xf32>
        %lt3A_347 = arith.cmpf olt, %get3A_333, %lt3A_346 : vector<16xf32>
        %and3A_348 = arith.andi %and3A_344, %lt3A_347 : vector<16xi1>
        %broadcast_in_dim3A_349 = arith.constant 1 : i32
        %broadcast_in_dim3A_350 = vector.broadcast %broadcast_in_dim3A_349 : i32 to vector<16xi32>
        %broadcast_in_dim3A_351 = arith.constant 0 : i32
        %broadcast_in_dim3A_352 = vector.broadcast %broadcast_in_dim3A_351 : i32 to vector<16xi32>
        %select_n3A_353 = arith.select %and3A_348, %broadcast_in_dim3A_350, %broadcast_in_dim3A_352 : vector<16xi1>, vector<16xi32>
        %swap3A_354 = arith.index_cast %scan3A_166 : i32 to index
        %swap3A_355 = arith.constant 80 : index
        %swap3A_356 = tpu.vector_load %arg17[%swap3A_354, %swap3A_355] {strides = array<i32>} : memref<64x128xi32, #tpu.memory_space<vmem>>, vector<1x16xi32>,
        %swap3A_357 = vector.shape_cast %swap3A_356 : vector<1x16xi32> to vector<16xi32>
        %swap3A_358 = vector.shape_cast %select_n3A_353 : vector<16xi32> to vector<1x16xi32>
        tpu.vector_store %arg17[%swap3A_354, %swap3A_355], %swap3A_358 {strides = array<i32>} : memref<64x128xi32, #tpu.memory_space<vmem>>, vector<1x16xi32>,
        %get3A_359 = arith.index_cast %scan3A_166 : i32 to index
        %get3A_360 = arith.constant 96 : index
        %get3A_361 = tpu.vector_load %arg11[%get3A_359, %get3A_360] {strides = array<i32>} : memref<64x128xf32, #tpu.memory_space<vmem>>, vector<1x16xf32>,
        %get3A_362 = vector.shape_cast %get3A_361 : vector<1x16xf32> to vector<16xf32>
        %get3A_363 = arith.index_cast %scan3A_166 : i32 to index
        %get3A_364 = arith.constant 96 : index
        %get3A_365 = tpu.vector_load %arg13[%get3A_363, %get3A_364] {strides = array<i32>} : memref<64x128xf32, #tpu.memory_space<vmem>>, vector<1x16xf32>,
        %get3A_366 = vector.shape_cast %get3A_365 : vector<1x16xf32> to vector<16xf32>
        %get3A_367 = arith.index_cast %scan3A_166 : i32 to index
        %get3A_368 = arith.constant 96 : index
        %get3A_369 = tpu.vector_load %arg15[%get3A_367, %get3A_368] {strides = array<i32>} : memref<64x128xf32, #tpu.memory_space<vmem>>, vector<1x16xf32>,
        %get3A_370 = vector.shape_cast %get3A_369 : vector<1x16xf32> to vector<16xf32>
        %lt3A_371 = arith.constant 0.000000e+00 : f32
        %lt3A_372 = vector.broadcast %lt3A_371 : f32 to vector<16xf32>
        %lt3A_373 = arith.cmpf olt, %get3A_362, %lt3A_372 : vector<16xf32>
        %gt3A_374 = arith.constant 0.000000e+00 : f32
        %gt3A_375 = vector.broadcast %gt3A_374 : f32 to vector<16xf32>
        %gt3A_376 = arith.cmpf ogt, %get3A_370, %gt3A_375 : vector<16xf32>
        %and3A_377 = arith.andi %lt3A_373, %gt3A_376 : vector<16xi1>
        %lt3A_378 = arith.constant 0.000000e+00 : f32
        %lt3A_379 = vector.broadcast %lt3A_378 : f32 to vector<16xf32>
        %lt3A_380 = arith.cmpf olt, %get3A_366, %lt3A_379 : vector<16xf32>
        %and3A_381 = arith.andi %and3A_377, %lt3A_380 : vector<16xi1>
        %broadcast_in_dim3A_382 = arith.constant 1 : i32
        %broadcast_in_dim3A_383 = vector.broadcast %broadcast_in_dim3A_382 : i32 to vector<16xi32>
        %broadcast_in_dim3A_384 = arith.constant 0 : i32
        %broadcast_in_dim3A_385 = vector.broadcast %broadcast_in_dim3A_384 : i32 to vector<16xi32>
        %select_n3A_386 = arith.select %and3A_381, %broadcast_in_dim3A_383, %broadcast_in_dim3A_385 : vector<16xi1>, vector<16xi32>
        %swap3A_387 = arith.index_cast %scan3A_166 : i32 to index
        %swap3A_388 = arith.constant 96 : index
        %swap3A_389 = tpu.vector_load %arg17[%swap3A_387, %swap3A_388] {strides = array<i32>} : memref<64x128xi32, #tpu.memory_space<vmem>>, vector<1x16xi32>,
        %swap3A_390 = vector.shape_cast %swap3A_389 : vector<1x16xi32> to vector<16xi32>
        %swap3A_391 = vector.shape_cast %select_n3A_386 : vector<16xi32> to vector<1x16xi32>
        tpu.vector_store %arg17[%swap3A_387, %swap3A_388], %swap3A_391 {strides = array<i32>} : memref<64x128xi32, #tpu.memory_space<vmem>>, vector<1x16xi32>,
        %get3A_392 = arith.index_cast %scan3A_166 : i32 to index
        %get3A_393 = arith.constant 112 : index
        %get3A_394 = tpu.vector_load %arg11[%get3A_392, %get3A_393] {strides = array<i32>} : memref<64x128xf32, #tpu.memory_space<vmem>>, vector<1x16xf32>,
        %get3A_395 = vector.shape_cast %get3A_394 : vector<1x16xf32> to vector<16xf32>
        %get3A_396 = arith.index_cast %scan3A_166 : i32 to index
        %get3A_397 = arith.constant 112 : index
        %get3A_398 = tpu.vector_load %arg13[%get3A_396, %get3A_397] {strides = array<i32>} : memref<64x128xf32, #tpu.memory_space<vmem>>, vector<1x16xf32>,
        %get3A_399 = vector.shape_cast %get3A_398 : vector<1x16xf32> to vector<16xf32>
        %get3A_400 = arith.index_cast %scan3A_166 : i32 to index
        %get3A_401 = arith.constant 112 : index
        %get3A_402 = tpu.vector_load %arg15[%get3A_400, %get3A_401] {strides = array<i32>} : memref<64x128xf32, #tpu.memory_space<vmem>>, vector<1x16xf32>,
        %get3A_403 = vector.shape_cast %get3A_402 : vector<1x16xf32> to vector<16xf32>
        %lt3A_404 = arith.constant 0.000000e+00 : f32
        %lt3A_405 = vector.broadcast %lt3A_404 : f32 to vector<16xf32>
        %lt3A_406 = arith.cmpf olt, %get3A_395, %lt3A_405 : vector<16xf32>
        %gt3A_407 = arith.constant 0.000000e+00 : f32
        %gt3A_408 = vector.broadcast %gt3A_407 : f32 to vector<16xf32>
        %gt3A_409 = arith.cmpf ogt, %get3A_403, %gt3A_408 : vector<16xf32>
        %and3A_410 = arith.andi %lt3A_406, %gt3A_409 : vector<16xi1>
        %lt3A_411 = arith.constant 0.000000e+00 : f32
        %lt3A_412 = vector.broadcast %lt3A_411 : f32 to vector<16xf32>
        %lt3A_413 = arith.cmpf olt, %get3A_399, %lt3A_412 : vector<16xf32>
        %and3A_414 = arith.andi %and3A_410, %lt3A_413 : vector<16xi1>
        %broadcast_in_dim3A_415 = arith.constant 1 : i32
        %broadcast_in_dim3A_416 = vector.broadcast %broadcast_in_dim3A_415 : i32 to vector<16xi32>
        %broadcast_in_dim3A_417 = arith.constant 0 : i32
        %broadcast_in_dim3A_418 = vector.broadcast %broadcast_in_dim3A_417 : i32 to vector<16xi32>
        %select_n3A_419 = arith.select %and3A_414, %broadcast_in_dim3A_416, %broadcast_in_dim3A_418 : vector<16xi1>, vector<16xi32>
        %swap3A_420 = arith.index_cast %scan3A_166 : i32 to index
        %swap3A_421 = arith.constant 112 : index
        %swap3A_422 = tpu.vector_load %arg17[%swap3A_420, %swap3A_421] {strides = array<i32>} : memref<64x128xi32, #tpu.memory_space<vmem>>, vector<1x16xi32>,
        %swap3A_423 = vector.shape_cast %swap3A_422 : vector<1x16xi32> to vector<16xi32>
        %swap3A_424 = vector.shape_cast %select_n3A_419 : vector<16xi32> to vector<1x16xi32>
        tpu.vector_store %arg17[%swap3A_420, %swap3A_421], %swap3A_424 {strides = array<i32>} : memref<64x128xi32, #tpu.memory_space<vmem>>, vector<1x16xi32>,
      }
      %scan3A_115 = arith.constant 64 : i32
      %mul3A_116 = arith.constant 64 : i32
      %mul3A_117 = arith.muli %add3A_43, %mul3A_116 : i32
      %add3A_118 = arith.addi %mul3A_2, %mul3A_117 : i32
      %dma_start3A_119 = arith.constant 0 : i32
      %dma_start3A_120 = tpu.memref_slice %arg8[%add3A_118, %dma_start3A_119] : memref<16384x128xi32, #tpu.memory_space<hbm>> -> memref<64x128xi32, #tpu.memory_space<hbm>>
      %dma_start3A_121 = arith.constant 0 : i32
      %dma_start3A_122 = tpu.memref_slice %arg8[%add3A_118, %dma_start3A_121] : memref<16384x128xi32, #tpu.memory_space<hbm>> -> memref<64x128xi32, #tpu.memory_space<hbm>>
      tpu.enqueue_dma source(%arg17 : memref<64x128xi32, #tpu.memory_space<vmem>>) target(%dma_start3A_122 : memref<64x128xi32, #tpu.memory_space<hbm>>) target_semaphore(%arg19 : memref<!tpu.dma_semaphore, #tpu.memory_space<semaphore_mem>>)
      %mul3A_123 = arith.constant 64 : i32
      %mul3A_124 = arith.muli %mul3A_41, %mul3A_123 : i32
      %add3A_125 = arith.addi %mul3A_2, %mul3A_124 : i32
      %dma_wait3A_126 = arith.constant 0 : i32
      %dma_wait3A_127 = tpu.memref_slice %arg6[%add3A_125, %dma_wait3A_126] : memref<16384x128xf32, #tpu.memory_space<hbm>> -> memref<64x128xf32, #tpu.memory_space<hbm>>
      %dma_wait3A_128 = arith.constant 0 : i32
      %dma_wait3A_129 = tpu.memref_slice %arg6[%add3A_125, %dma_wait3A_128] : memref<16384x128xf32, #tpu.memory_space<hbm>> -> memref<64x128xf32, #tpu.memory_space<hbm>>
      tpu.wait_dma2 semaphore(%arg19 : memref<!tpu.dma_semaphore, #tpu.memory_space<semaphore_mem>>) src(%arg10 : memref<64x128xf32, #tpu.memory_space<vmem>>) dst(%dma_wait3A_129 : memref<64x128xf32, #tpu.memory_space<hbm>>)
      %dma_wait3A_130 = arith.constant 0 : i32
      %dma_wait3A_131 = tpu.memref_slice %arg7[%add3A_125, %dma_wait3A_130] : memref<16384x128xf32, #tpu.memory_space<hbm>> -> memref<64x128xf32, #tpu.memory_space<hbm>>
      %dma_wait3A_132 = arith.constant 0 : i32
      %dma_wait3A_133 = tpu.memref_slice %arg7[%add3A_125, %dma_wait3A_132] : memref<16384x128xf32, #tpu.memory_space<hbm>> -> memref<64x128xf32, #tpu.memory_space<hbm>>
      tpu.wait_dma2 semaphore(%arg19 : memref<!tpu.dma_semaphore, #tpu.memory_space<semaphore_mem>>) src(%arg12 : memref<64x128xf32, #tpu.memory_space<vmem>>) dst(%dma_wait3A_133 : memref<64x128xf32, #tpu.memory_space<hbm>>)
      %mul3A_134 = arith.constant 64 : i32
      %mul3A_135 = arith.muli %mul3A_41, %mul3A_134 : i32
      %add3A_136 = arith.addi %mul3A_2, %mul3A_135 : i32
      %dma_wait3A_137 = arith.constant 0 : i32
      %dma_wait3A_138 = tpu.memref_slice %arg8[%add3A_136, %dma_wait3A_137] : memref<16384x128xi32, #tpu.memory_space<hbm>> -> memref<64x128xi32, #tpu.memory_space<hbm>>
      %dma_wait3A_139 = arith.constant 0 : i32
      %dma_wait3A_140 = tpu.memref_slice %arg8[%add3A_136, %dma_wait3A_139] : memref<16384x128xi32, #tpu.memory_space<hbm>> -> memref<64x128xi32, #tpu.memory_space<hbm>>
      tpu.wait_dma2 semaphore(%arg19 : memref<!tpu.dma_semaphore, #tpu.memory_space<semaphore_mem>>) src(%arg16 : memref<64x128xi32, #tpu.memory_space<vmem>>) dst(%dma_wait3A_140 : memref<64x128xi32, #tpu.memory_space<hbm>>)
      %lt3A = arith.constant 3 : i32
      %lt3A_141 = arith.cmpi slt, %scan3A_39, %lt3A : i32
      %convert_element_type3A = arith.extui %lt3A_141 : i1 to i32
      %cond3A = arith.constant 0 : i32
      %cond3A_142 = arith.cmpi ne, %convert_element_type3A, %cond3A : i32
      scf.if %cond3A_142 {
        %add3A_166 = arith.constant 2 : i32
        %add3A_167 = arith.addi %mul3A_41, %add3A_166 : i32
        %mul3A_168 = arith.constant 64 : i32
        %mul3A_169 = arith.muli %add3A_167, %mul3A_168 : i32
        %mul3A_170 = arith.constant 64 : i32
        %mul3A_171 = arith.muli %add3A_167, %mul3A_170 : i32
        %add3A_172 = arith.addi %mul3A_2, %mul3A_171 : i32
        %dma_start3A_173 = tpu.memref_slice %arg9[%mul3A_169] : memref<512xi32, #tpu.memory_space<vmem>> -> memref<64xi32, #tpu.memory_space<vmem>>
        %dma_start3A_174 = arith.constant 0 : i32
        %dma_start3A_175 = arith.constant 0 : i32
        %dma_start3A_176 = tpu.memref_slice %arg2[%dma_start3A_174, %dma_start3A_175] : memref<100000x128xf32, #tpu.memory_space<hbm>> -> memref<100000x128xf32, #tpu.memory_space<hbm>>
        tpu.enqueue_indirect_dma source(%dma_start3A_176 : memref<100000x128xf32, #tpu.memory_space<hbm>>) target(%arg10 : memref<64x128xf32, #tpu.memory_space<vmem>>) offsets(%dma_start3A_173 : memref<64xi32, #tpu.memory_space<vmem>>) semaphore(%arg18 : memref<!tpu.dma_semaphore, #tpu.memory_space<semaphore_mem>>)
        %dma_start3A_177 = tpu.memref_slice %arg9[%mul3A_169] : memref<512xi32, #tpu.memory_space<vmem>> -> memref<64xi32, #tpu.memory_space<vmem>>
        %dma_start3A_178 = arith.constant 0 : i32
        %dma_start3A_179 = arith.constant 0 : i32
        %dma_start3A_180 = tpu.memref_slice %arg3[%dma_start3A_178, %dma_start3A_179] : memref<100000x128xf32, #tpu.memory_space<hbm>> -> memref<100000x128xf32, #tpu.memory_space<hbm>>
        tpu.enqueue_indirect_dma source(%dma_start3A_180 : memref<100000x128xf32, #tpu.memory_space<hbm>>) target(%arg12 : memref<64x128xf32, #tpu.memory_space<vmem>>) offsets(%dma_start3A_177 : memref<64xi32, #tpu.memory_space<vmem>>) semaphore(%arg18 : memref<!tpu.dma_semaphore, #tpu.memory_space<semaphore_mem>>)
        %dma_start3A_181 = arith.constant 0 : i32
        %dma_start3A_182 = tpu.memref_slice %arg5[%add3A_172, %dma_start3A_181] : memref<16384x128xf32, #tpu.memory_space<hbm>> -> memref<64x128xf32, #tpu.memory_space<hbm>>
        %dma_start3A_183 = arith.constant 0 : i32
        %dma_start3A_184 = tpu.memref_slice %arg5[%add3A_172, %dma_start3A_183] : memref<16384x128xf32, #tpu.memory_space<hbm>> -> memref<64x128xf32, #tpu.memory_space<hbm>>
        tpu.enqueue_dma source(%dma_start3A_184 : memref<64x128xf32, #tpu.memory_space<hbm>>) target(%arg14 : memref<64x128xf32, #tpu.memory_space<vmem>>) target_semaphore(%arg18 : memref<!tpu.dma_semaphore, #tpu.memory_space<semaphore_mem>>)
      } else {
      }
      %mul3A_143 = arith.constant 64 : i32
      %mul3A_144 = arith.muli %add3A_43, %mul3A_143 : i32
      %add3A_145 = arith.addi %mul3A_2, %mul3A_144 : i32
      %dma_wait3A_146 = arith.constant 0 : i32
      %dma_wait3A_147 = tpu.memref_slice %arg6[%add3A_145, %dma_wait3A_146] : memref<16384x128xf32, #tpu.memory_space<hbm>> -> memref<64x128xf32, #tpu.memory_space<hbm>>
      %dma_wait3A_148 = arith.constant 0 : i32
      %dma_wait3A_149 = tpu.memref_slice %arg6[%add3A_145, %dma_wait3A_148] : memref<16384x128xf32, #tpu.memory_space<hbm>> -> memref<64x128xf32, #tpu.memory_space<hbm>>
      tpu.wait_dma2 semaphore(%arg19 : memref<!tpu.dma_semaphore, #tpu.memory_space<semaphore_mem>>) src(%arg11 : memref<64x128xf32, #tpu.memory_space<vmem>>) dst(%dma_wait3A_149 : memref<64x128xf32, #tpu.memory_space<hbm>>)
      %dma_wait3A_150 = arith.constant 0 : i32
      %dma_wait3A_151 = tpu.memref_slice %arg7[%add3A_145, %dma_wait3A_150] : memref<16384x128xf32, #tpu.memory_space<hbm>> -> memref<64x128xf32, #tpu.memory_space<hbm>>
      %dma_wait3A_152 = arith.constant 0 : i32
      %dma_wait3A_153 = tpu.memref_slice %arg7[%add3A_145, %dma_wait3A_152] : memref<16384x128xf32, #tpu.memory_space<hbm>> -> memref<64x128xf32, #tpu.memory_space<hbm>>
      tpu.wait_dma2 semaphore(%arg19 : memref<!tpu.dma_semaphore, #tpu.memory_space<semaphore_mem>>) src(%arg13 : memref<64x128xf32, #tpu.memory_space<vmem>>) dst(%dma_wait3A_153 : memref<64x128xf32, #tpu.memory_space<hbm>>)
      %mul3A_154 = arith.constant 64 : i32
      %mul3A_155 = arith.muli %add3A_43, %mul3A_154 : i32
      %add3A_156 = arith.addi %mul3A_2, %mul3A_155 : i32
      %dma_wait3A_157 = arith.constant 0 : i32
      %dma_wait3A_158 = tpu.memref_slice %arg8[%add3A_156, %dma_wait3A_157] : memref<16384x128xi32, #tpu.memory_space<hbm>> -> memref<64x128xi32, #tpu.memory_space<hbm>>
      %dma_wait3A_159 = arith.constant 0 : i32
      %dma_wait3A_160 = tpu.memref_slice %arg8[%add3A_156, %dma_wait3A_159] : memref<16384x128xi32, #tpu.memory_space<hbm>> -> memref<64x128xi32, #tpu.memory_space<hbm>>
      tpu.wait_dma2 semaphore(%arg19 : memref<!tpu.dma_semaphore, #tpu.memory_space<semaphore_mem>>) src(%arg17 : memref<64x128xi32, #tpu.memory_space<vmem>>) dst(%dma_wait3A_160 : memref<64x128xi32, #tpu.memory_space<hbm>>)
      %lt3A_161 = arith.constant 3 : i32
      %lt3A_162 = arith.cmpi slt, %scan3A_39, %lt3A_161 : i32
      %convert_element_type3A_163 = arith.extui %lt3A_162 : i1 to i32
      %cond3A_164 = arith.constant 0 : i32
      %cond3A_165 = arith.cmpi ne, %convert_element_type3A_163, %cond3A_164 : i32
      scf.if %cond3A_165 {
        %add3A_166 = arith.constant 2 : i32
        %add3A_167 = arith.addi %add3A_43, %add3A_166 : i32
        %mul3A_168 = arith.constant 64 : i32
        %mul3A_169 = arith.muli %add3A_167, %mul3A_168 : i32
        %mul3A_170 = arith.constant 64 : i32
        %mul3A_171 = arith.muli %add3A_167, %mul3A_170 : i32
        %add3A_172 = arith.addi %mul3A_2, %mul3A_171 : i32
        %dma_start3A_173 = tpu.memref_slice %arg9[%mul3A_169] : memref<512xi32, #tpu.memory_space<vmem>> -> memref<64xi32, #tpu.memory_space<vmem>>
        %dma_start3A_174 = arith.constant 0 : i32
        %dma_start3A_175 = arith.constant 0 : i32
        %dma_start3A_176 = tpu.memref_slice %arg2[%dma_start3A_174, %dma_start3A_175] : memref<100000x128xf32, #tpu.memory_space<hbm>> -> memref<100000x128xf32, #tpu.memory_space<hbm>>
        tpu.enqueue_indirect_dma source(%dma_start3A_176 : memref<100000x128xf32, #tpu.memory_space<hbm>>) target(%arg11 : memref<64x128xf32, #tpu.memory_space<vmem>>) offsets(%dma_start3A_173 : memref<64xi32, #tpu.memory_space<vmem>>) semaphore(%arg18 : memref<!tpu.dma_semaphore, #tpu.memory_space<semaphore_mem>>)
        %dma_start3A_177 = tpu.memref_slice %arg9[%mul3A_169] : memref<512xi32, #tpu.memory_space<vmem>> -> memref<64xi32, #tpu.memory_space<vmem>>
        %dma_start3A_178 = arith.constant 0 : i32
        %dma_start3A_179 = arith.constant 0 : i32
        %dma_start3A_180 = tpu.memref_slice %arg3[%dma_start3A_178, %dma_start3A_179] : memref<100000x128xf32, #tpu.memory_space<hbm>> -> memref<100000x128xf32, #tpu.memory_space<hbm>>
        tpu.enqueue_indirect_dma source(%dma_start3A_180 : memref<100000x128xf32, #tpu.memory_space<hbm>>) target(%arg13 : memref<64x128xf32, #tpu.memory_space<vmem>>) offsets(%dma_start3A_177 : memref<64xi32, #tpu.memory_space<vmem>>) semaphore(%arg18 : memref<!tpu.dma_semaphore, #tpu.memory_space<semaphore_mem>>)
        %dma_start3A_181 = arith.constant 0 : i32
        %dma_start3A_182 = tpu.memref_slice %arg5[%add3A_172, %dma_start3A_181] : memref<16384x128xf32, #tpu.memory_space<hbm>> -> memref<64x128xf32, #tpu.memory_space<hbm>>
        %dma_start3A_183 = arith.constant 0 : i32
        %dma_start3A_184 = tpu.memref_slice %arg5[%add3A_172, %dma_start3A_183] : memref<16384x128xf32, #tpu.memory_space<hbm>> -> memref<64x128xf32, #tpu.memory_space<hbm>>
        tpu.enqueue_dma source(%dma_start3A_184 : memref<64x128xf32, #tpu.memory_space<hbm>>) target(%arg15 : memref<64x128xf32, #tpu.memory_space<vmem>>) target_semaphore(%arg18 : memref<!tpu.dma_semaphore, #tpu.memory_space<semaphore_mem>>)
      } else {
      }
    }
    %scan3A_38 = arith.constant 4 : i32
    return
  }
}

</mosaic_0001>

<sc_bundles>
// kernel: _run.3.cloned.1.call-start
scs
__scs_entry_jumppad:
0x0: {  	(pc) =	sbr.rel $0x88, $3  }
0x1: {  	(tag) =	ssettag $0x0;
	lr =	simm.s32 $0x1  }
0x2: {  	[smem:$0x3F9D] =	sst lr;
	_ =	strace $0xD0000000  }
0x3: {  	_ = 	snop  }
0x4: {  	_ = 	snop  }
0x5: {  	_ = 	snop  }
0x6: {  	_ = 	snop  }
0x7: {  	_ = 	snop  }
__scs_overlays_trampoline_lowered:
0x8: {  	[smem:$0x3FAC] =	sst s0  }
0x9: {  	[smem:$0x3FAD] =	sst s1  }
0xa: {  	[smem:$0x3FAE] =	sst s2  }
0xb: {  	[smem:$0x3FAF] =	sst s3  }
0xc: {  	[smem:$0x3FB0] =	sst s4  }
0xd: {  	[smem:$0x3FB1] =	sst s5  }
0xe: {  	[smem:$0x3FB2] =	sst s6  }
0xf: {  	[smem:$0x3FB3] =	sst s7  }
0x10: {  	[smem:$0x3FB4] =	sst s8  }
0x11: {  	[smem:$0x3FB5] =	sst s9;
	s0 =	simm.s32 @!p0 $0x0  }
0x12: {  	s1 =	sld [smem:$0x3F9B];
	s0 =	simm.s32 @p0 $0x1  }
0x13: {  	[smem:$0x3FB6] =	sst s0;
	s0 =	simm.s32 @!p1 $0x0  }
0x14: {  	s2 =	sld [smem:$0x3F9A];
	s0 =	simm.s32 @p1 $0x1  }
0x15: {  	[smem:$0x3FB7] =	sst s0;
	s0 =	simm.s32 @!p2 $0x0  }
0x16: {  	s3 =	sld [smem:$0x3FDB];
	s0 =	simm.s32 @p2 $0x1  }
0x17: {  	s4 =	simm.s32 $0x1BF5;
	[smem:$0x3FB9] =	sst s0  }
0x18: {  	s0 =	sld [smem:$0x3F9C];
	_ =	swait.ge [sflag:s4], $0x0  }
0x19: {  	s7 =	sld [smem:$0x3F9D]  }
0x1a: {  	s8 =	sadd.s32 $0xFFFFE003, lr  }
0x1b: {  	s9 =	sadd.s32 $0xFFFFFEF7, lr;
	s5 =	simm.s32 $0xFFFFFFFF;
	p2 =	slt.u32 s8, $0xFFFFF086  }
0x1c: {  	p1 =	slt.u32 s9, $0xF7A;
	s5 =	simm.s32 @!p2 $0x0  }
0x1d: {  	s5 =	simm.s32 @p1 $0x1;
	p0 =	seq.s32 s7, s2  }
0x1e: {  	s7 =	smul.u32 @!p0 $0xF7A, s2;
	p2 =	seq.s32 @!p0 s5, $0x0  }
0x1f: {  	s9 =	smul.u32 $0xF7A, s1;
	s8 =	simm.s32 @!p0 $0x1BF5;
	p2 =	por !p2, p0  }
0x20: {  	[sflag:s8] =	ssyncset.s32 @!p0 $0xFFFFF086;
	s6 =	sadd.s32 @!p0 s3, s7;
	s7 =	simm.s32 @!p0 $0x108  }
0x21: {  	s3 =	sadd.s32 s3, s9;
	s6 =	sadd.s32 @!p0 $0x88, s6;
	s7 =	simm.s32 @p2 $0x1082  }
0x22: {  	[simem:s7], [sflag:s8] =	dma.local @!p0 [hbm:s6], $0xF7A  }
0x23: {  	s9 =	sor.u32 $0xD0000000, s2;
	s6 =	simm.s32 $0x108;
	_ =	swait.ge @!p0 [sflag:s8], $0x0  }
0x24: {  	s3 =	sadd.s32 $0x88, s3;
	s6 =	simm.s32 @!p1 $0x1082;
	[sflag:s4] =	ssyncset.s32 $0xFFFFF086  }
0x25: {  	[simem:s6], [sflag:s4] =	dma.local [hbm:s3], $0xF7A  }
0x26: {  	[smem:$0x3F9D] =	sst s1;
	(tag) =	ssettag s2;
	_ =	strace s9  }
0x27: {  	s1 =	sld [smem:$0x3FAD]  }
0x28: {  	s2 =	sld [smem:$0x3FAE]  }
0x29: {  	s4 =	sld [smem:$0x3FB0]  }
0x2a: {  	p0 =	seq.s32 s5, $0x0;
	s5 =	sld [smem:$0x3FB1]  }
0x2b: {  	s6 =	sld [smem:$0x3FB2]  }
0x2c: {  	s7 =	sld [smem:$0x3FB3]  }
0x2d: {  	s3 =	simm.s32 $0x108;
	s8 =	sld [smem:$0x3FB4]  }
0x2e: {  	s3 =	simm.s32 @!p0 $0x1082;
	s9 =	sld [smem:$0x3FB5]  }
0x2f: {  	lr =	sadd.s32 s0, s3;
	s0 =	sld [smem:$0x3FAC]  }
0x30: {  	s3 =	sld [smem:$0x3FAF]  }
0x31: {  	[smem:$0x3FB8] =	sst s10  }
0x32: {  	s10 =	sld [smem:$0x3FB6];
	_ =	sdelay $0x3  }
0x33: {  	p0 =	seq.s32 s10, $0x1;
	s10 =	sld [smem:$0x3FB8];
	_ =	sdelay $0x3  }
0x34: {  	[smem:$0x3FB8] =	sst s10  }
0x35: {  	s10 =	sld [smem:$0x3FB7];
	_ =	sdelay $0x3  }
0x36: {  	p1 =	seq.s32 s10, $0x1;
	s10 =	sld [smem:$0x3FB8];
	_ =	sdelay $0x3  }
0x37: {  	[smem:$0x3FB8] =	sst s10  }
0x38: {  	s10 =	sld [smem:$0x3FB9]  }
0x39: {  	_ = 	snop;
	(pc) =	sbr.ind lr, $3  }
0x3a: {  	_ = 	snop  }
0x3b: {  	_ = 	snop  }
0x3c: {  	p2 =	seq.s32 s10, $0x1;
	s10 =	sld [smem:$0x3FB8]  }
0x3d: {  	_ =	shalt  }
0x3e: {  	_ =	shalt  }
0x3f: {  	_ =	shalt  }
0x40: {  	_ =	shalt  }
0x41: {  	_ =	shalt  }
0x42: {  	_ =	shalt  }
0x43: {  	_ =	shalt  }
0x44: {  	_ =	shalt  }
0x45: {  	_ =	shalt  }
0x46: {  	_ =	shalt  }
0x47: {  	_ =	shalt  }
0x48: {  	_ =	shalt  }
0x49: {  	_ =	shalt  }
0x4a: {  	_ =	shalt  }
0x4b: {  	_ =	shalt  }
0x4c: {  	_ =	shalt  }
0x4d: {  	_ =	shalt  }
0x4e: {  	_ =	shalt  }
0x4f: {  	_ =	shalt  }
0x50: {  	_ =	shalt  }
0x51: {  	_ =	shalt  }
0x52: {  	_ =	shalt  }
0x53: {  	_ =	shalt  }
0x54: {  	_ =	shalt  }
0x55: {  	_ =	shalt  }
0x56: {  	_ =	shalt  }
0x57: {  	_ =	shalt  }
0x58: {  	_ =	shalt  }
0x59: {  	_ =	shalt  }
0x5a: {  	_ =	shalt  }
0x5b: {  	_ =	shalt  }
0x5c: {  	_ =	shalt  }
0x5d: {  	_ =	shalt  }
0x5e: {  	_ =	shalt  }
0x5f: {  	_ =	shalt  }
0x60: {  	_ =	shalt  }
0x61: {  	_ =	shalt  }
0x62: {  	_ =	shalt  }
0x63: {  	_ =	shalt  }
0x64: {  	_ =	shalt  }
0x65: {  	_ =	shalt  }
0x66: {  	_ =	shalt  }
0x67: {  	_ =	shalt  }
0x68: {  	_ =	shalt  }
0x69: {  	_ =	shalt  }
0x6a: {  	_ =	shalt  }
0x6b: {  	_ =	shalt  }
0x6c: {  	_ =	shalt  }
0x6d: {  	_ =	shalt  }
0x6e: {  	_ =	shalt  }
0x6f: {  	_ =	shalt  }
0x70: {  	_ =	shalt  }
0x71: {  	_ =	shalt  }
0x72: {  	_ =	shalt  }
0x73: {  	_ =	shalt  }
0x74: {  	_ =	shalt  }
0x75: {  	_ =	shalt  }
0x76: {  	_ =	shalt  }
0x77: {  	_ =	shalt  }
0x78: {  	_ =	shalt  }
0x79: {  	_ =	shalt  }
0x7a: {  	_ =	shalt  }
0x7b: {  	_ =	shalt  }
0x7c: {  	_ =	shalt  }
0x7d: {  	_ =	shalt  }
0x7e: {  	_ =	shalt  }
0x7f: {  	_ =	shalt  }
0x80: {  	_ =	shalt  }
0x81: {  	_ =	shalt  }
0x82: {  	_ =	shalt  }
0x83: {  	_ =	shalt  }
0x84: {  	_ =	shalt  }
0x85: {  	_ =	shalt  }
0x86: {  	_ =	shalt  }
0x87: {  	_ =	shalt  }
.Lfunc_end0:
.L_simem_size_0:
called_computation_lowered:
.L_overlay_start_0:
0x88: {  	s2 =	sld [smem:$0x3FD9]  }
0x89: {  	s3 =	sld [smem:$0x3FFE];
	_ =	sdelay $0x1  }
0x8a: {  	s1 =	srdreg.scid  }
0x8b: {  	s0 =	sand.u32 $0x1, s1  }
0x8c: {  	s15 =	sshll.u32 s0, $0xA;
	s2 =	sadd.s32 s3, s2  }
0x8d: {  	s2 =	sadd.s32 s2, s15  }
0x8e: {  	[smem:$0x3FC4] =	sst s2  }
0x8f: {  	_ = 	snop  }
0x90: {  	s2 =	sld [smem:$0x3FC9]  }
0x91: {  	s16 =	sld [smem:$0x3FD0]  }
0x92: {  	s4 =	sld [smem:$0x3FC8]  }
0x93: {  	s5 =	sld [smem:$0x3FC7]  }
0x94: {  	s7 =	simm.s32 $0xA;
	s8 =	simm.s32 $0x10;
	s6 =	sld [smem:$0x3FC6]  }
0x95: {  	[smem:s8], [sflag:s7] =	dma.local [hbm:s16], $0x1  }
0x96: {  	_ =	swait.eq [sflag:s7], $0x1  }
0x97: {  	s17 =	sld [smem:$0x10];
	[sflag:s7] =	ssyncset.done $0x0  }
0x98: {  	s18 =	sld [smem:$0x11];
	[sflag:s7] =	ssyncadd.s32 $0xFFFFFFFF  }
0x99: {  	s19 =	sld [smem:$0x12];
	(tm) =	ssettm $0x1  }
0x9a: {  	s9 =	sld [smem:$0x3FFB];
	_ =	sdelay $0x3  }
0x9b: {  	_ =	strace s9  }
0x9c: {  	s9 =	sld [smem:$0x3FFC];
	_ =	sdelay $0x3  }
0x9d: {  	_ =	strace s9  }
0x9e: {  	s9 =	sld [smem:$0x3FFD];
	_ =	sdelay $0x3  }
0x9f: {  	_ =	strace s9  }
0xa0: {  	_ =	strace $0x8FFFFFFF  }
0xa1: {  	s20 =	sld [smem:$0x3FDB];
	_ =	sdelay $0x1  }
0xa2: {  	s10 =	simm.s32 $_scs_section_size  }
0xa3: {  	s11 =	simm.s32 $_size__tile_overlayer_lowered;
	s12 =	simm.s32 $_tile_overlayer_lowered  }
0xa4: {  	s23 =	simm.s32 $0x1BFF;
	s22 =	sshll.u32 s12, $0x1;
	s9 =	sadd.s32 s10, s20  }
0xa5: {  	s13 =	simm.s32 $0x0;
	s21 =	sshll.u32 s11, $0x1;
	s11 =	sadd.s32 s22, s9  }
0xa6: {  	[timem:s13], [sflag:s23] =	dma.local [hbm:s11], s21  }
0xa7: {  	_ =	swait.ge [sflag:s23], s21  }
0xa8: {  	s10 =	ssub.s32 $0x0, s21;
	[sflag:s23] =	ssyncset.done $0x0  }
0xa9: {  	[sflag:s23] =	ssyncadd.s32 s10;
	_ =	sdelay $0x1  }
0xaa: {  	s24 =	simm.s32 $0x1B8B  }
0xab: {  	_ =	swait.ge [sflag:s24], $0x1  }
0xac: {  	[sflag:s24] =	ssyncset.done $0x0  }
0xad: {  	s25 =	simm.s32 $0x1B8E;
	[sflag:s24] =	ssyncadd.s32 $0xFFFFFFFF  }
0xae: {  	s26 =	simm.s32 $execute0_lowered;
	[smem:$0x3FD2] =	sst s25  }
0xaf: {  	s10 =	sshll.u32 s26, $0x1;
	_ =	strace $0x80000046;
	[dreg:$0x1] =	wrdreg $0xFFFFFFFF  }
0xb0: {  	s28 =	simm.s32 $_size_execute0_lowered;
	s9 =	sadd.s32 s9, s10;
	[dreg:$0x0] =	wrdreg $0x0  }
0xb1: {  	s10 =	sshll.u32 s28, $0x1;
	[dreg:$0x2] =	wrdreg s9  }
0xb2: {  	[dreg:$0x3] =	wrdreg s10  }
0xb3: {  	[dreg:$0x4] =	wrdreg $0xC0  }
0xb4: {  	_ =	task [dreg:s13], $0x5FFFF  }
0xb5: {  	[dreg:$0x1] =	wrdreg $0xFFFFFFFF  }
0xb6: {  	[dreg:$0x0] =	wrdreg $0x60  }
0xb7: {  	[dreg:$0x2] =	wrdreg s5  }
0xb8: {  	[dreg:$0x3] =	wrdreg s6  }
0xb9: {  	[dreg:$0x4] =	wrdreg s4  }
0xba: {  	[dreg:$0x5] =	wrdreg s2  }
0xbb: {  	[dreg:$0x6] =	wrdreg s17  }
0xbc: {  	[dreg:$0x7] =	wrdreg s18  }
0xbd: {  	[dreg:$0x8] =	wrdreg s19  }
0xbe: {  	[dreg:$0x9] =	wrdreg $0x9  }
0xbf: {  	_ =	task.clear_ibuf [dreg:s13], $0xAFFFF;
	_ =	strace $0x90000046  }
0xc0: {  	s29 =	simm.s32 $0x9;
	_ =	strace $0x80000048  }
0xc1: {  	_ =	swait.ge [sflag:s29], $0x1  }
0xc2: {  	[sflag:s29] =	ssyncadd.s32 $0xFFFFFFFF  }
0xc3: {  	_ =	strace $0x90000048  }
0xc4: {  	_ =	sfence  }
0xc5: {  	s30 =	sld [smem:$0x0];
	_ =	sdelay $0x2  }
0xc6: {  	s31 =	sshll.u32 s1, $0xD;
	s1 =	sshrl.u32 s1, $0x2  }
0xc7: {  	s3 =	sand.u32 $0x4000, s31;
	s1 =	sadd.s32 s1, s30  }
0xc8: {  	s0 =	sor.u32 s3, s0;
	s1 =	sshll.u32 s1, $0x11  }
0xc9: {  	s0 =	sor.u32 s1, s0  }
0xca: {  	s0 =	sadd.s32 $0x8F2B, s0  }
0xcb: {  	[sflag:s0] =	ssyncadd.remote.s32 $0x1  }
0xcc: {  	_ =	sfence.sel $0xFFFF  }
0xcd: {  	[dreg:$0x0] =	wrdreg $0xFFFFFFFF;
	(pc) =	sbr.abs _section_cstart, $3  }
0xce: {  	[dreg:$0x1] =	wrdreg $0xFFFFFFFF  }
0xcf: {  	_ =	task.clear_ibuf [dreg:s13], $0x2FFFF;
	_ =	strace $0x9FFFFFFF  }
0xd0: {  	(tm) =	ssettm $0x7FFFFFFF  }
0xd1: {  	_ =	shalt  }
tec
execute0_lowered:
.L_overlay_start_1:
0x0: {  	(tag) =	ssettag $0x1  }
0x1: {  	s0 =	rddreg [dreg:$0x0]  }
0x2: {  	s2 =	rddreg [dreg:$0x1]  }
0x3: {  	s1 =	rddreg [dreg:$0x2]  }
0x4: {  	s3 =	rddreg [dreg:$0x3]  }
0x5: {  	s4 =	rddreg [dreg:$0x4]  }
0x6: {  	s5 =	rddreg [dreg:$0x5]  }
0x7: {  	s7 =	rddreg [dreg:$0x6]  }
0x8: {  	s6 =	srdreg.scid;
	s8 =	simm.s32 $0x0;
	s9 =	stileid.u32  }
0x9: {  	s15 =	simm.s32 $0x3;
	s16 =	simm.s32 $0x40;
	s17 =	simm.s32 $0x200  }
0xa: {  	s18 =	simm.s32 $0x4200;
	s19 =	simm.s32 $0x8200;
	s20 =	simm.s32 $0x2200  }
0xb: {  	s21 =	simm.s32 $0x6200;
	s22 =	simm.s32 $0xA200;
	s23 =	simm.s32 $0x1  }
0xc: {  	s24 =	simm.s32 $0xC200;
	s25 =	simm.s32 $0xE200;
	s26 =	simm.s32 $0x2  }
0xd: {  	s28 =	simm.s32 $0x0;
	s6 =	sand.u32 $0x1, s6;
	[smem:$0x7FF] =	sst s8  }
.Ltmp0:
0xe: {  	s9 =	sshll.u32 s9, $0xA;
	s10 =	sshll.u32 s6, $0x9;
	(pc) =	sbr.rel .LBB2_1-.Ltmp0, $4  }
0xf: {  	_ =	strace $0x80000047;
	s6 =	ssub.s32 $0x2, s6;
	s9 =	sor.u32 s10, s9  }
0x10: {  	s11 =	sshrl.u32 s6, $0x1;
	s12 =	sshrl.u32 s9, $0x3;
	s10 =	sshll.u32 s9, $0x4  }
0x11: {  	s6 =	ssub.s32 s6, s11;
	s1 =	sadd.s32 s1, s12;
	s12 =	sadd.s32 s3, s10  }
0x12: {  	v0 =	vimm.s32 $0x0;
	s14 =	smax.u32 s6, $0x1;
	[dreg:$0x8] =	wrdreg s1;
	s13 =	sadd.s32 $0x400, s12  }
.LBB2_8:
0x13: {  	_ =	swait.ge [sflag:s26], $0x2000  }
0x14: {  	[sflag:s26] =	ssyncset.done $0x0  }
0x15: {  	s28 =	sadd.s32 $0x1, s28;
	[sflag:s26] =	ssyncadd.s32 $0xFFFFE000  }
0x16: {  	p0 =	sne.s32 s28, s14;
	_ =	swait.ge [sflag:s26], $0x2000  }
.Ltmp1:
0x17: {  	[sflag:s26] =	ssyncset.done $0x0;
	(pc) =	sbr.rel @!p0 .LBB2_9-.Ltmp1, $4  }
0x18: {  	[sflag:s26] =	ssyncadd.s32 $0xFFFFE000  }
0x19: {  	_ =	swait.ge [sflag:s26], $0x2000  }
0x1a: {  	[sflag:s26] =	ssyncset.done $0x0  }
0x1b: {  	[sflag:s26] =	ssyncadd.s32 $0xFFFFE000  }
.LBB2_1:
0x1c: {  	s1 =	rddreg [dreg:$0x8]  }
0x1d: {  	[tilespmem:s8], [sflag:$0x3] =	stream.linear.gather [hbm4b:s1+s8], $0x200, $0x38;
	[tilespmem:$0x10200] =	vst v63  }
0x1e: {  	_ =	swait.ge [sflag:s15], $0x200  }
0x1f: {  	[sflag:s15] =	ssyncset.done $0x0  }
0x20: {  	[sflag:s15] =	ssyncadd.s32 $0xFFFFFE00  }
0x21: {  	[tilespmem:s17], [sflag:$0x1] =	stream.indirect.gather [hbm4b:s0+s16], $0x80, s8, s16, $0xb8;
	[tilespmem:$0x10200] =	vst v63  }
0x22: {  	_ = 	snop  }
0x23: {  	[tilespmem:s18], [sflag:$0x1] =	stream.indirect.gather [hbm4b:s2+s16], $0x80, s8, s16, $0xb8;
	[tilespmem:$0x10200] =	vst v63  }
0x24: {  	_ = 	snop  }
0x25: {  	[tilespmem:s19], [sflag:$0x1] =	stream.linear.gather [hbm4b:s12+s8], $0x2000, $0x38;
	[tilespmem:$0x10200] =	vst v63  }
0x26: {  	_ = 	snop  }
0x27: {  	[tilespmem:s20], [sflag:$0x1] =	stream.indirect.gather [hbm4b:s0+s16], $0x80, s16, s16, $0xb8;
	[tilespmem:$0x10200] =	vst v63  }
0x28: {  	_ = 	snop  }
0x29: {  	[tilespmem:s21], [sflag:$0x1] =	stream.indirect.gather [hbm4b:s2+s16], $0x80, s16, s16, $0xb8;
	[tilespmem:$0x10200] =	vst v63  }
0x2a: {  	s29 =	simm.s32 $0x0  }
0x2b: {  	[tilespmem:s22], [sflag:$0x1] =	stream.linear.gather [hbm4b:s13+s8], $0x2000, $0x38;
	[tilespmem:$0x10200] =	vst v63  }
.LBB2_2:
0x2c: {  	_ =	swait.ge [sflag:s23], $0x2000  }
0x2d: {  	[sflag:s23] =	ssyncset.done $0x0  }
0x2e: {  	[sflag:s23] =	ssyncadd.s32 $0xFFFFE000  }
0x2f: {  	_ =	swait.ge [sflag:s23], $0x2000  }
0x30: {  	[sflag:s23] =	ssyncset.done $0x0  }
0x31: {  	[sflag:s23] =	ssyncadd.s32 $0xFFFFE000  }
0x32: {  	s1 =	sshll.u32 s29, $0xB;
	_ =	swait.ge [sflag:s23], $0x2000  }
0x33: {  	s30 =	sadd.s32 s10, s1;
	[sflag:s23] =	ssyncset.done $0x0  }
0x34: {  	s6 =	simm.s32 $0x0;
	s1 =	sadd.s32 s4, s30;
	[sflag:s23] =	ssyncadd.s32 $0xFFFFE000  }
0x35: {  	[hbm4b:s1+s6] =	stream.linear.scatter [tilespmem:s17], [sflag:$0x2], $0x2000, $0x38;
	[tilespmem:$0x10200] =	vst v63  }
0x36: {  	s31 =	simm.s32 $0x0;
	s11 =	sadd.s32 s5, s30  }
0x37: {  	[hbm4b:s11+s6] =	stream.linear.scatter [tilespmem:s18], [sflag:$0x2], $0x2000, $0x38;
	[tilespmem:$0x10200] =	vst v63  }
0x38: {  	v1 =	vld [tilespmem:s31+$0x270]  }
0x39: {  	v2 =	vld [tilespmem:s31+$0x4270]  }
0x3a: {  	v3 =	vld [tilespmem:s31+$0x8270]  }
0x3b: {  	v4 =	vld [tilespmem:s31+$0x200]  }
0x3c: {  	v5 =	vld [tilespmem:s31+$0x4200]  }
0x3d: {  	v6 =	vld [tilespmem:s31+$0x210]  }
0x3e: {  	v7 =	vld [tilespmem:s31+$0x4210]  }
0x3f: {  	v9 =	vld [tilespmem:s31+$0x4230]  }
0x40: {  	v10 =	vld [tilespmem:s31+$0x4240]  }
0x41: {  	v11 =	vld [tilespmem:s31+$0x250]  }
0x42: {  	v12 =	vld [tilespmem:s31+$0x4250]  }
0x43: {  	v13 =	vld [tilespmem:s31+$0x260];
	vm0 =	vlt.f32 v1, $0.0e+00;
	vm1 =	vlt.f32 v2, $0.0e+00  }
0x44: {  	v1 =	vld [tilespmem:s31+$0x220];
	vm2 =	vgt.f32 v3, $0.0e+00;
	vm0 =	vmand vm0, vm1  }
0x45: {  	v3 =	vld [tilespmem:s31+$0x230];
	vm0 =	vmand vm0, vm2  }
0x46: {  	v2 =	vld [tilespmem:s31+$0x4220];
	v8 =	vsel vm0, $0x1, v0  }
0x47: {  	[tilespmem:s31+$0xC270] =	vst v8;
	v8 =	vld [tilespmem:s31+$0x240]  }
0x48: {  	vm3 =	vlt.f32 v7, $0.0e+00;
	vm7 =	vlt.f32 v9, $0.0e+00;
	vm2 =	vlt.f32 v6, $0.0e+00;
	v6 =	vld [tilespmem:s31+$0x4260]  }
0x49: {  	vm1 =	vlt.f32 v5, $0.0e+00;
	vm0 =	vlt.f32 v4, $0.0e+00;
	vm4 =	vlt.f32 v1, $0.0e+00;
	v1 =	vld [tilespmem:s31+$0x8200]  }
0x4a: {  	vm10 =	vmand vm2, vm3;
	vm2 =	vlt.f32 v11, $0.0e+00;
	vm6 =	vlt.f32 v3, $0.0e+00;
	v3 =	vld [tilespmem:s31+$0x8210]  }
0x4b: {  	v7 =	vld [tilespmem:s31+$0x8220];
	vm9 =	vmand vm0, vm1;
	vm0 =	vlt.f32 v10, $0.0e+00;
	vm5 =	vlt.f32 v2, $0.0e+00  }
0x4c: {  	v5 =	vld [tilespmem:s31+$0x8230];
	vm3 =	vmand vm4, vm5;
	vm5 =	vlt.f32 v12, $0.0e+00;
	vm8 =	vlt.f32 v8, $0.0e+00  }
0x4d: {  	v4 =	vld [tilespmem:s31+$0x8240];
	vm4 =	vmand vm6, vm7;
	vm1 =	vmand vm8, vm0;
	vm0 =	vmand vm2, vm5  }
0x4e: {  	v2 =	vld [tilespmem:s31+$0x8250];
	vm2 =	vlt.f32 v13, $0.0e+00;
	vm5 =	vlt.f32 v6, $0.0e+00;
	vm6 =	vgt.f32 v1, $0.0e+00  }
0x4f: {  	s1 =	simm.s32 $0x80;
	vm2 =	vmand vm2, vm5;
	vm5 =	vmand vm9, vm6;
	vm6 =	vgt.f32 v3, $0.0e+00;
	v3 =	vld [tilespmem:s31+$0x8260]  }
0x50: {  	s6 =	simm.s32 $0x400;
	v1 =	vld [tilespmem:s1+$0x270];
	v6 =	vsel vm5, $0x1, v0;
	vm6 =	vmand vm10, vm6;
	vm5 =	vgt.f32 v7, $0.0e+00  }
.LBB2_3:
0x51: {  	p0 =	sne.s32 s6, $0x7E00;
	v7 =	vld [tilespmem:s1+$0x4270];
	[tilespmem:s31+$0xC200] =	vst v6;
	v6 =	vsel vm6, $0x1, v0;
	vm3 =	vmand vm3, vm5;
	vm5 =	vgt.f32 v5, $0.0e+00  }
0x52: {  	v5 =	vld [tilespmem:s1+$0x8270];
	[tilespmem:s31+$0xC210] =	vst v6;
	v6 =	vsel vm3, $0x1, v0;
	vm3 =	vmand vm4, vm5;
	vm4 =	vgt.f32 v4, $0.0e+00  }
0x53: {  	v4 =	vld [tilespmem:s1+$0x200];
	[tilespmem:s31+$0xC220] =	vst v6;
	v6 =	vsel vm3, $0x1, v0;
	vm1 =	vmand vm1, vm4;
	vm3 =	vgt.f32 v2, $0.0e+00  }
0x54: {  	v2 =	vld [tilespmem:s1+$0x4200];
	[tilespmem:s31+$0xC230] =	vst v6;
	v6 =	vsel vm1, $0x1, v0;
	vm0 =	vmand vm0, vm3;
	vm1 =	vgt.f32 v3, $0.0e+00  }
0x55: {  	v3 =	vld [tilespmem:s1+$0x210];
	[tilespmem:s31+$0xC240] =	vst v6;
	v6 =	vsel vm0, $0x1, v0;
	vm0 =	vmand vm2, vm1  }
0x56: {  	vm1 =	vlt.f32 v1, $0.0e+00;
	v8 =	vld [tilespmem:s1+$0x4210];
	vm2 =	vlt.f32 v7, $0.0e+00;
	[tilespmem:s31+$0xC250] =	vst v6;
	v1 =	vsel vm0, $0x1, v0  }
0x57: {  	v6 =	vld [tilespmem:s1+$0x220];
	vm0 =	vgt.f32 v5, $0.0e+00;
	vm1 =	vmand vm1, vm2;
	[tilespmem:s31+$0xC260] =	vst v1;
	s31 =	smov.u32 s1  }
0x58: {  	vm2 =	vlt.f32 v4, $0.0e+00;
	v1 =	vld [tilespmem:s31+$0x4220];
	vm0 =	vmand vm1, vm0  }
0x59: {  	vm1 =	vlt.f32 v2, $0.0e+00;
	v2 =	vld [tilespmem:s31+$0x230];
	v4 =	vsel vm0, $0x1, v0  }
0x5a: {  	vm5 =	vmand vm2, vm1;
	vm0 =	vlt.f32 v3, $0.0e+00;
	v3 =	vld [tilespmem:s31+$0x4230];
	[tilespmem:s31+$0xC270] =	vst v4  }
0x5b: {  	vm1 =	vlt.f32 v8, $0.0e+00;
	v4 =	vld [tilespmem:s31+$0x240]  }
0x5c: {  	vm6 =	vmand vm0, vm1;
	vm0 =	vlt.f32 v6, $0.0e+00;
	v5 =	vld [tilespmem:s31+$0x4240]  }
0x5d: {  	vm1 =	vlt.f32 v1, $0.0e+00;
	v1 =	vld [tilespmem:s31+$0x250]  }
0x5e: {  	vm3 =	vmand vm0, vm1;
	vm0 =	vlt.f32 v2, $0.0e+00;
	v2 =	vld [tilespmem:s31+$0x4250]  }
0x5f: {  	vm1 =	vlt.f32 v3, $0.0e+00;
	v3 =	vld [tilespmem:s31+$0x260]  }
0x60: {  	vm4 =	vmand vm0, vm1;
	vm0 =	vlt.f32 v4, $0.0e+00;
	v6 =	vld [tilespmem:s31+$0x4260]  }
0x61: {  	v7 =	vld [tilespmem:s31+$0x8200];
	vm1 =	vlt.f32 v5, $0.0e+00  }
0x62: {  	v8 =	vld [tilespmem:s31+$0x8210];
	vm1 =	vmand vm0, vm1;
	vm0 =	vlt.f32 v1, $0.0e+00  }
0x63: {  	v9 =	vld [tilespmem:s31+$0x8220];
	vm2 =	vlt.f32 v2, $0.0e+00  }
.Ltmp2:
0x64: {  	v5 =	vld [tilespmem:s31+$0x8230];
	vm0 =	vmand vm0, vm2;
	vm2 =	vlt.f32 v3, $0.0e+00;
	(pc) =	sbr.rel @p0 .LBB2_3-.Ltmp2, $4  }
0x65: {  	v4 =	vld [tilespmem:s31+$0x8240];
	vm7 =	vlt.f32 v6, $0.0e+00  }
0x66: {  	vm8 =	vgt.f32 v7, $0.0e+00;
	v2 =	vld [tilespmem:s31+$0x8250];
	vm2 =	vmand vm2, vm7  }
0x67: {  	s1 =	sshra.s32 s6, $0x2;
	vm5 =	vmand vm5, vm8;
	vm7 =	vgt.f32 v8, $0.0e+00;
	v3 =	vld [tilespmem:s31+$0x8260]  }
0x68: {  	s6 =	sadd.s32 $0x200, s6;
	v1 =	vld [tilespmem:s1+$0x270];
	v6 =	vsel vm5, $0x1, v0;
	vm6 =	vmand vm6, vm7;
	vm5 =	vgt.f32 v9, $0.0e+00  }
0x69: {  	v7 =	vld [tilespmem:s1+$0x4270];
	[tilespmem:s31+$0xC200] =	vst v6;
	v6 =	vsel vm6, $0x1, v0;
	vm3 =	vmand vm3, vm5;
	vm5 =	vgt.f32 v5, $0.0e+00  }
0x6a: {  	v8 =	vld [tilespmem:s1+$0x8270];
	[tilespmem:s31+$0xC210] =	vst v6;
	v5 =	vsel vm3, $0x1, v0;
	vm3 =	vmand vm4, vm5;
	vm4 =	vgt.f32 v4, $0.0e+00  }
0x6b: {  	v6 =	vld [tilespmem:s1+$0x200];
	[tilespmem:s31+$0xC220] =	vst v5;
	v4 =	vsel vm3, $0x1, v0;
	vm1 =	vmand vm1, vm4;
	vm3 =	vgt.f32 v2, $0.0e+00  }
0x6c: {  	v5 =	vld [tilespmem:s1+$0x4200];
	[tilespmem:s31+$0xC230] =	vst v4;
	v2 =	vsel vm1, $0x1, v0;
	vm0 =	vmand vm0, vm3;
	vm1 =	vgt.f32 v3, $0.0e+00  }
0x6d: {  	v4 =	vld [tilespmem:s1+$0x210];
	[tilespmem:s31+$0xC240] =	vst v2;
	v2 =	vsel vm0, $0x1, v0;
	vm0 =	vmand vm2, vm1  }
0x6e: {  	v3 =	vld [tilespmem:s1+$0x4210];
	[tilespmem:s31+$0xC250] =	vst v2;
	v2 =	vsel vm0, $0x1, v0  }
0x6f: {  	v9 =	vld [tilespmem:s1+$0x220];
	[tilespmem:s31+$0xC260] =	vst v2  }
0x70: {  	vm0 =	vlt.f32 v1, $0.0e+00;
	v1 =	vld [tilespmem:s1+$0x4220]  }
0x71: {  	v2 =	vld [tilespmem:s1+$0x230]  }
0x72: {  	vm2 =	vgt.f32 v8, $0.0e+00;
	v8 =	vld [tilespmem:s1+$0x4230]  }
0x73: {  	vm1 =	vlt.f32 v7, $0.0e+00;
	v10 =	vld [tilespmem:s1+$0x4240]  }
0x74: {  	vm0 =	vmand vm0, vm1;
	v11 =	vld [tilespmem:s1+$0x250]  }
0x75: {  	vm0 =	vmand vm0, vm2;
	v12 =	vld [tilespmem:s1+$0x4250]  }
0x76: {  	v13 =	vld [tilespmem:s1+$0x260];
	v7 =	vsel vm0, $0x1, v0  }
0x77: {  	[tilespmem:s1+$0xC270] =	vst v7;
	v7 =	vld [tilespmem:s1+$0x240]  }
0x78: {  	vm0 =	vlt.f32 v6, $0.0e+00;
	vm1 =	vlt.f32 v5, $0.0e+00;
	vm2 =	vlt.f32 v4, $0.0e+00;
	v4 =	vld [tilespmem:s1+$0x4260]  }
0x79: {  	vm0 =	vmand vm0, vm1;
	vm3 =	vlt.f32 v3, $0.0e+00;
	vm5 =	vlt.f32 v1, $0.0e+00;
	v1 =	vld [tilespmem:s1+$0x8200]  }
0x7a: {  	v3 =	vld [tilespmem:s1+$0x8210];
	vm4 =	vlt.f32 v9, $0.0e+00;
	vm1 =	vmand vm2, vm3;
	vm3 =	vlt.f32 v2, $0.0e+00  }
0x7b: {  	v2 =	vld [tilespmem:s1+$0x8220];
	vm6 =	vlt.f32 v10, $0.0e+00;
	vm7 =	vlt.f32 v11, $0.0e+00;
	vm8 =	vlt.f32 v12, $0.0e+00  }
0x7c: {  	v5 =	vld [tilespmem:s1+$0x8230];
	vm2 =	vmand vm4, vm5;
	vm4 =	vlt.f32 v8, $0.0e+00;
	vm5 =	vlt.f32 v7, $0.0e+00  }
0x7d: {  	v6 =	vld [tilespmem:s1+$0x8240];
	vm3 =	vmand vm3, vm4;
	vm4 =	vmand vm5, vm6;
	vm5 =	vmand vm7, vm8  }
0x7e: {  	vm6 =	vlt.f32 v13, $0.0e+00;
	vm7 =	vlt.f32 v4, $0.0e+00;
	vm8 =	vgt.f32 v1, $0.0e+00;
	v1 =	vld [tilespmem:s1+$0x8250]  }
0x7f: {  	vm6 =	vmand vm6, vm7;
	vm7 =	vgt.f32 v3, $0.0e+00;
	v3 =	vld [tilespmem:s1+$0x8260];
	vm0 =	vmand vm0, vm8  }
0x80: {  	v4 =	vsel vm0, $0x1, v0;
	vm0 =	vmand vm1, vm7;
	vm1 =	vgt.f32 v2, $0.0e+00  }
0x81: {  	[tilespmem:s1+$0xC200] =	vst v4;
	v2 =	vsel vm0, $0x1, v0;
	vm0 =	vmand vm2, vm1;
	vm1 =	vgt.f32 v5, $0.0e+00  }
0x82: {  	[tilespmem:s1+$0xC210] =	vst v2;
	v2 =	vsel vm0, $0x1, v0;
	vm0 =	vmand vm3, vm1;
	vm1 =	vgt.f32 v6, $0.0e+00  }
0x83: {  	[tilespmem:s1+$0xC220] =	vst v2;
	v2 =	vsel vm0, $0x1, v0;
	vm0 =	vmand vm4, vm1;
	vm1 =	vgt.f32 v1, $0.0e+00  }
0x84: {  	[tilespmem:s1+$0xC230] =	vst v2;
	v1 =	vsel vm0, $0x1, v0;
	vm0 =	vmand vm5, vm1;
	vm1 =	vgt.f32 v3, $0.0e+00  }
0x85: {  	[tilespmem:s1+$0xC240] =	vst v1;
	v1 =	vsel vm0, $0x1, v0;
	vm0 =	vmand vm6, vm1  }
0x86: {  	[tilespmem:s1+$0xC250] =	vst v1;
	v1 =	vsel vm0, $0x1, v0  }
0x87: {  	s11 =	sadd.s32 s7, s30;
	s6 =	simm.s32 $0x0;
	[tilespmem:s1+$0xC260] =	vst v1  }
0x88: {  	[hbm4b:s11+s6] =	stream.linear.scatter [tilespmem:s24], [sflag:$0x2], $0x2000, $0x38;
	[tilespmem:$0x10200] =	vst v63  }
0x89: {  	_ =	swait.ge [sflag:s23], $0x2000  }
0x8a: {  	[sflag:s23] =	ssyncset.done $0x0  }
0x8b: {  	[sflag:s23] =	ssyncadd.s32 $0xFFFFE000  }
0x8c: {  	_ =	swait.ge [sflag:s23], $0x2000  }
0x8d: {  	s30 =	sshll.u32 s29, $0x7;
	[sflag:s23] =	ssyncset.done $0x0  }
0x8e: {  	s11 =	sor.u32 s30, s9;
	[sflag:s23] =	ssyncadd.s32 $0xFFFFE000  }
0x8f: {  	s1 =	sshll.u32 s11, $0x4;
	_ =	swait.ge [sflag:s23], $0x2000  }
0x90: {  	s31 =	sor.u32 $0x400, s1;
	[sflag:s23] =	ssyncset.done $0x0  }
0x91: {  	s1 =	sadd.s32 s4, s31;
	[sflag:s23] =	ssyncadd.s32 $0xFFFFE000  }
0x92: {  	[hbm4b:s1+s6] =	stream.linear.scatter [tilespmem:s20], [sflag:$0x2], $0x2000, $0x38;
	[tilespmem:$0x10200] =	vst v63  }
0x93: {  	s11 =	sadd.s32 s5, s31;
	s1 =	simm.s32 $0x0  }
0x94: {  	[hbm4b:s11+s6] =	stream.linear.scatter [tilespmem:s21], [sflag:$0x2], $0x2000, $0x38;
	[tilespmem:$0x10200] =	vst v63  }
0x95: {  	v1 =	vld [tilespmem:s1+$0x2270]  }
0x96: {  	v2 =	vld [tilespmem:s1+$0x6270]  }
0x97: {  	v3 =	vld [tilespmem:s1+$0xA270]  }
0x98: {  	v4 =	vld [tilespmem:s1+$0x2200]  }
0x99: {  	v5 =	vld [tilespmem:s1+$0x6200]  }
0x9a: {  	v6 =	vld [tilespmem:s1+$0x2210]  }
0x9b: {  	v7 =	vld [tilespmem:s1+$0x6210]  }
0x9c: {  	v59 =	vld [tilespmem:s1+$0x6230]  }
0x9d: {  	v60 =	vld [tilespmem:s1+$0x6240]  }
0x9e: {  	v61 =	vld [tilespmem:s1+$0x2250]  }
0x9f: {  	v62 =	vld [tilespmem:s1+$0x6250]  }
0xa0: {  	v63 =	vld [tilespmem:s1+$0x2260]  }
0xa1: {  	vm0 =	vlt.f32 v1, $0.0e+00;
	vm1 =	vlt.f32 v2, $0.0e+00;
	v1 =	vld [tilespmem:s1+$0x2220]  }
0xa2: {  	vm2 =	vgt.f32 v3, $0.0e+00;
	v3 =	vld [tilespmem:s1+$0x2230];
	vm0 =	vmand vm0, vm1  }
0xa3: {  	v2 =	vld [tilespmem:s1+$0x6220];
	vm0 =	vmand vm0, vm2  }
0xa4: {  	vm2 =	vlt.f32 v6, $0.0e+00;
	v6 =	vld [tilespmem:s1+$0x6260];
	v8 =	vsel vm0, $0x1, v0  }
0xa5: {  	vm3 =	vlt.f32 v7, $0.0e+00;
	vm9 =	vlt.f32 v62, $0.0e+00;
	[tilespmem:s1+$0xE270] =	vst v8;
	v8 =	vld [tilespmem:s1+$0x2240]  }
0xa6: {  	vm1 =	vlt.f32 v5, $0.0e+00;
	vm0 =	vlt.f32 v4, $0.0e+00;
	vm4 =	vlt.f32 v1, $0.0e+00;
	v1 =	vld [tilespmem:s1+$0xA200]  }
0xa7: {  	vm8 =	vmand vm2, vm3;
	vm3 =	vlt.f32 v60, $0.0e+00;
	vm6 =	vlt.f32 v3, $0.0e+00;
	v3 =	vld [tilespmem:s1+$0xA210]  }
0xa8: {  	v7 =	vld [tilespmem:s1+$0xA220];
	vm7 =	vmand vm0, vm1;
	vm0 =	vlt.f32 v59, $0.0e+00;
	vm5 =	vlt.f32 v2, $0.0e+00  }
0xa9: {  	v5 =	vld [tilespmem:s1+$0xA230];
	vm1 =	vmand vm4, vm5;
	vm5 =	vlt.f32 v61, $0.0e+00;
	vm4 =	vmand vm6, vm0  }
0xaa: {  	v4 =	vld [tilespmem:s1+$0xA240];
	vm0 =	vmand vm5, vm9;
	vm5 =	vlt.f32 v6, $0.0e+00;
	vm2 =	vlt.f32 v8, $0.0e+00  }
0xab: {  	v2 =	vld [tilespmem:s1+$0xA250];
	vm2 =	vmand vm2, vm3;
	vm3 =	vlt.f32 v63, $0.0e+00;
	vm6 =	vgt.f32 v1, $0.0e+00  }
0xac: {  	s6 =	simm.s32 $0x80;
	vm3 =	vmand vm3, vm5;
	vm5 =	vmand vm7, vm6;
	vm6 =	vgt.f32 v3, $0.0e+00;
	v3 =	vld [tilespmem:s1+$0xA260]  }
0xad: {  	s11 =	simm.s32 $0x400;
	v1 =	vld [tilespmem:s6+$0x2270];
	v6 =	vsel vm5, $0x1, v0;
	vm6 =	vmand vm8, vm6;
	vm5 =	vgt.f32 v7, $0.0e+00  }
.LBB2_5:
0xae: {  	p0 =	sne.s32 s11, $0x7E00;
	v7 =	vld [tilespmem:s6+$0x6270];
	[tilespmem:s1+$0xE200] =	vst v6;
	v6 =	vsel vm6, $0x1, v0;
	vm1 =	vmand vm1, vm5;
	vm5 =	vgt.f32 v5, $0.0e+00  }
0xaf: {  	v5 =	vld [tilespmem:s6+$0xA270];
	[tilespmem:s1+$0xE210] =	vst v6;
	v6 =	vsel vm1, $0x1, v0;
	vm1 =	vmand vm4, vm5;
	vm4 =	vgt.f32 v4, $0.0e+00  }
0xb0: {  	v4 =	vld [tilespmem:s6+$0x2200];
	[tilespmem:s1+$0xE220] =	vst v6;
	v6 =	vsel vm1, $0x1, v0;
	vm1 =	vmand vm2, vm4;
	vm2 =	vgt.f32 v2, $0.0e+00  }
0xb1: {  	v2 =	vld [tilespmem:s6+$0x6200];
	[tilespmem:s1+$0xE230] =	vst v6;
	v6 =	vsel vm1, $0x1, v0;
	vm0 =	vmand vm0, vm2;
	vm1 =	vgt.f32 v3, $0.0e+00  }
0xb2: {  	v3 =	vld [tilespmem:s6+$0x2210];
	[tilespmem:s1+$0xE240] =	vst v6;
	v6 =	vsel vm0, $0x1, v0;
	vm0 =	vmand vm3, vm1  }
0xb3: {  	vm1 =	vlt.f32 v1, $0.0e+00;
	v8 =	vld [tilespmem:s6+$0x6210];
	vm2 =	vlt.f32 v7, $0.0e+00;
	[tilespmem:s1+$0xE250] =	vst v6;
	v1 =	vsel vm0, $0x1, v0  }
0xb4: {  	v6 =	vld [tilespmem:s6+$0x2220];
	vm0 =	vgt.f32 v5, $0.0e+00;
	vm1 =	vmand vm1, vm2;
	[tilespmem:s1+$0xE260] =	vst v1;
	s1 =	smov.u32 s6  }
0xb5: {  	vm2 =	vlt.f32 v4, $0.0e+00;
	v1 =	vld [tilespmem:s1+$0x6220];
	vm0 =	vmand vm1, vm0  }
0xb6: {  	vm1 =	vlt.f32 v2, $0.0e+00;
	v2 =	vld [tilespmem:s1+$0x2230];
	v4 =	vsel vm0, $0x1, v0  }
0xb7: {  	vm5 =	vmand vm2, vm1;
	vm0 =	vlt.f32 v3, $0.0e+00;
	v3 =	vld [tilespmem:s1+$0x6230];
	[tilespmem:s1+$0xE270] =	vst v4  }
0xb8: {  	vm1 =	vlt.f32 v8, $0.0e+00;
	v4 =	vld [tilespmem:s1+$0x2240]  }
0xb9: {  	vm6 =	vmand vm0, vm1;
	vm0 =	vlt.f32 v6, $0.0e+00;
	v5 =	vld [tilespmem:s1+$0x6240]  }
0xba: {  	vm1 =	vlt.f32 v1, $0.0e+00;
	v1 =	vld [tilespmem:s1+$0x2250]  }
0xbb: {  	vm1 =	vmand vm0, vm1;
	vm0 =	vlt.f32 v2, $0.0e+00;
	v2 =	vld [tilespmem:s1+$0x6250]  }
0xbc: {  	vm2 =	vlt.f32 v3, $0.0e+00;
	v3 =	vld [tilespmem:s1+$0x2260]  }
0xbd: {  	vm4 =	vmand vm0, vm2;
	vm0 =	vlt.f32 v4, $0.0e+00;
	v6 =	vld [tilespmem:s1+$0x6260]  }
0xbe: {  	v7 =	vld [tilespmem:s1+$0xA200];
	vm2 =	vlt.f32 v5, $0.0e+00  }
0xbf: {  	v8 =	vld [tilespmem:s1+$0xA210];
	vm2 =	vmand vm0, vm2;
	vm0 =	vlt.f32 v1, $0.0e+00  }
0xc0: {  	v9 =	vld [tilespmem:s1+$0xA220];
	vm3 =	vlt.f32 v2, $0.0e+00  }
.Ltmp3:
0xc1: {  	v5 =	vld [tilespmem:s1+$0xA230];
	vm0 =	vmand vm0, vm3;
	vm3 =	vlt.f32 v3, $0.0e+00;
	(pc) =	sbr.rel @p0 .LBB2_5-.Ltmp3, $4  }
0xc2: {  	v4 =	vld [tilespmem:s1+$0xA240];
	vm7 =	vlt.f32 v6, $0.0e+00  }
0xc3: {  	vm8 =	vgt.f32 v7, $0.0e+00;
	v2 =	vld [tilespmem:s1+$0xA250];
	vm3 =	vmand vm3, vm7  }
0xc4: {  	s6 =	sshra.s32 s11, $0x2;
	vm5 =	vmand vm5, vm8;
	vm7 =	vgt.f32 v8, $0.0e+00;
	v3 =	vld [tilespmem:s1+$0xA260]  }
0xc5: {  	s11 =	sadd.s32 $0x200, s11;
	v1 =	vld [tilespmem:s6+$0x2270];
	v6 =	vsel vm5, $0x1, v0;
	vm6 =	vmand vm6, vm7;
	vm5 =	vgt.f32 v9, $0.0e+00  }
0xc6: {  	v7 =	vld [tilespmem:s6+$0x6270];
	[tilespmem:s1+$0xE200] =	vst v6;
	v54 =	vsel vm6, $0x1, v0;
	vm1 =	vmand vm1, vm5;
	vm13 =	vgt.f32 v5, $0.0e+00  }
0xc7: {  	v8 =	vld [tilespmem:s6+$0xA270];
	[tilespmem:s1+$0xE210] =	vst v54;
	v55 =	vsel vm1, $0x1, v0;
	vm14 =	vmand vm4, vm13;
	vm15 =	vgt.f32 v4, $0.0e+00  }
0xc8: {  	v6 =	vld [tilespmem:s6+$0x2200];
	[tilespmem:s1+$0xE220] =	vst v55;
	v56 =	vsel vm14, $0x1, v0;
	vm8 =	vmand vm2, vm15;
	vm9 =	vgt.f32 v2, $0.0e+00  }
0xc9: {  	v5 =	vld [tilespmem:s6+$0x6200];
	[tilespmem:s1+$0xE230] =	vst v56;
	v2 =	vsel vm8, $0x1, v0;
	vm0 =	vmand vm0, vm9;
	vm10 =	vgt.f32 v3, $0.0e+00  }
0xca: {  	v4 =	vld [tilespmem:s6+$0x2210];
	[tilespmem:s1+$0xE240] =	vst v2;
	v2 =	vsel vm0, $0x1, v0;
	vm11 =	vmand vm3, vm10  }
0xcb: {  	v3 =	vld [tilespmem:s6+$0x6210];
	[tilespmem:s1+$0xE250] =	vst v2;
	v2 =	vsel vm11, $0x1, v0  }
0xcc: {  	v9 =	vld [tilespmem:s6+$0x2220];
	[tilespmem:s1+$0xE260] =	vst v2  }
0xcd: {  	vm12 =	vlt.f32 v1, $0.0e+00;
	v1 =	vld [tilespmem:s6+$0x6220]  }
0xce: {  	v2 =	vld [tilespmem:s6+$0x2230]  }
0xcf: {  	v58 =	vld [tilespmem:s6+$0x6230]  }
0xd0: {  	v59 =	vld [tilespmem:s6+$0x2240]  }
0xd1: {  	v10 =	vld [tilespmem:s6+$0x6240]  }
0xd2: {  	vm13 =	vlt.f32 v7, $0.0e+00;
	v11 =	vld [tilespmem:s6+$0x2250]  }
0xd3: {  	vm14 =	vgt.f32 v8, $0.0e+00;
	vm0 =	vmand vm12, vm13;
	v12 =	vld [tilespmem:s6+$0x6250]  }
0xd4: {  	vm0 =	vmand vm0, vm14;
	v13 =	vld [tilespmem:s6+$0x2260];
	vm15 =	vlt.f32 v6, $0.0e+00  }
0xd5: {  	v60 =	vld [tilespmem:s6+$0x6260];
	v57 =	vsel vm0, $0x1, v0;
	vm9 =	vlt.f32 v5, $0.0e+00;
	vm10 =	vlt.f32 v4, $0.0e+00  }
0xd6: {  	vm0 =	vmand vm15, vm9;
	vm11 =	vlt.f32 v3, $0.0e+00;
	vm13 =	vlt.f32 v1, $0.0e+00;
	v1 =	vld [tilespmem:s6+$0xA200]  }
0xd7: {  	vm12 =	vlt.f32 v9, $0.0e+00;
	vm2 =	vmand vm10, vm11;
	vm14 =	vlt.f32 v2, $0.0e+00;
	v2 =	vld [tilespmem:s6+$0xA210]  }
0xd8: {  	v3 =	vld [tilespmem:s6+$0xA220];
	vm15 =	vlt.f32 v58, $0.0e+00;
	vm7 =	vlt.f32 v11, $0.0e+00;
	vm8 =	vlt.f32 v12, $0.0e+00  }
0xd9: {  	v61 =	vld [tilespmem:s6+$0xA230];
	vm3 =	vmand vm12, vm13;
	vm12 =	vlt.f32 v59, $0.0e+00;
	vm13 =	vlt.f32 v10, $0.0e+00  }
0xda: {  	v62 =	vld [tilespmem:s6+$0xA240];
	vm1 =	vmand vm14, vm15;
	vm5 =	vmand vm7, vm8;
	vm14 =	vlt.f32 v13, $0.0e+00  }
0xdb: {  	vm15 =	vlt.f32 v60, $0.0e+00;
	vm4 =	vmand vm12, vm13;
	vm12 =	vgt.f32 v1, $0.0e+00;
	v1 =	vld [tilespmem:s6+$0xA250]  }
0xdc: {  	vm6 =	vmand vm14, vm15;
	vm13 =	vgt.f32 v2, $0.0e+00;
	v2 =	vld [tilespmem:s6+$0xA260];
	vm0 =	vmand vm0, vm12  }
0xdd: {  	[tilespmem:s6+$0xE270] =	vst v57;
	vm15 =	vgt.f32 v3, $0.0e+00;
	vm14 =	vmand vm2, vm13;
	v63 =	vsel vm0, $0x1, v0  }
0xde: {  	vm8 =	vgt.f32 v61, $0.0e+00;
	vm7 =	vmand vm3, vm15;
	v3 =	vsel vm14, $0x1, v0;
	[tilespmem:s6+$0xE200] =	vst v63  }
0xdf: {  	vm10 =	vgt.f32 v62, $0.0e+00;
	vm9 =	vmand vm1, vm8;
	[tilespmem:s6+$0xE210] =	vst v3;
	v3 =	vsel vm7, $0x1, v0  }
0xe0: {  	vm11 =	vmand vm4, vm10;
	[tilespmem:s6+$0xE220] =	vst v3;
	v3 =	vsel vm9, $0x1, v0;
	vm12 =	vgt.f32 v1, $0.0e+00  }
0xe1: {  	[tilespmem:s6+$0xE230] =	vst v3;
	v1 =	vsel vm11, $0x1, v0;
	vm14 =	vgt.f32 v2, $0.0e+00;
	vm13 =	vmand vm5, vm12  }
0xe2: {  	[tilespmem:s6+$0xE240] =	vst v1;
	vm15 =	vmand vm6, vm14;
	v1 =	vsel vm13, $0x1, v0  }
0xe3: {  	[tilespmem:s6+$0xE250] =	vst v1;
	v1 =	vsel vm15, $0x1, v0  }
0xe4: {  	s31 =	sadd.s32 s7, s31;
	[tilespmem:s6+$0xE260] =	vst v1  }
0xe5: {  	[hbm4b:s31+s8] =	stream.linear.scatter [tilespmem:s25], [sflag:$0x2], $0x2000, $0x38;
	[tilespmem:$0x10200] =	vst v63  }
0xe6: {  	_ =	swait.ge [sflag:s26], $0x2000  }
0xe7: {  	[sflag:s26] =	ssyncset.done $0x0  }
0xe8: {  	[sflag:s26] =	ssyncadd.s32 $0xFFFFE000  }
0xe9: {  	p0 =	seq.s32 s29, $0x3;
	_ =	swait.ge [sflag:s26], $0x2000  }
.Ltmp4:
0xea: {  	[sflag:s26] =	ssyncset.done $0x0;
	(pc) =	sbr.rel @p0 .LBB2_8-.Ltmp4, $4  }
0xeb: {  	[sflag:s26] =	ssyncadd.s32 $0xFFFFE000  }
0xec: {  	_ =	swait.ge [sflag:s26], $0x2000  }
0xed: {  	[sflag:s26] =	ssyncset.done $0x0  }
0xee: {  	[sflag:s26] =	ssyncadd.s32 $0xFFFFE000  }
0xef: {  	s1 =	sadd.s32 $0x80, s30  }
0xf0: {  	[tilespmem:s17], [sflag:$0x1] =	stream.indirect.gather [hbm4b:s0+s16], $0x80, s1, s16, $0xb8;
	[tilespmem:$0x10200] =	vst v63  }
0xf1: {  	_ = 	snop  }
0xf2: {  	[tilespmem:s18], [sflag:$0x1] =	stream.indirect.gather [hbm4b:s2+s16], $0x80, s1, s16, $0xb8;
	[tilespmem:$0x10200] =	vst v63  }
0xf3: {  	s1 =	sadd.s32 s9, s1  }
0xf4: {  	s1 =	sshll.u32 s1, $0x4  }
0xf5: {  	s1 =	sadd.s32 s3, s1  }
0xf6: {  	[tilespmem:s19], [sflag:$0x1] =	stream.linear.gather [hbm4b:s1+s8], $0x2000, $0x38;
	[tilespmem:$0x10200] =	vst v63  }
0xf7: {  	_ =	swait.ge [sflag:s26], $0x2000  }
0xf8: {  	[sflag:s26] =	ssyncset.done $0x0  }
0xf9: {  	[sflag:s26] =	ssyncadd.s32 $0xFFFFE000  }
0xfa: {  	_ =	swait.ge [sflag:s26], $0x2000  }
0xfb: {  	[sflag:s26] =	ssyncset.done $0x0  }
0xfc: {  	[sflag:s26] =	ssyncadd.s32 $0xFFFFE000  }
0xfd: {  	_ =	swait.ge [sflag:s26], $0x2000  }
0xfe: {  	[sflag:s26] =	ssyncset.done $0x0  }
0xff: {  	s31 =	sadd.s32 $0xC0, s30;
	[sflag:s26] =	ssyncadd.s32 $0xFFFFE000  }
0x100: {  	[tilespmem:s20], [sflag:$0x1] =	stream.indirect.gather [hbm4b:s0+s16], $0x80, s31, s16, $0xb8;
	[tilespmem:$0x10200] =	vst v63  }
.Ltmp5:
0x101: {  	s1 =	sadd.s32 s9, s31;
	(pc) =	sbr.rel .LBB2_2-.Ltmp5, $4  }
0x102: {  	s1 =	sshll.u32 s1, $0x4  }
0x103: {  	[tilespmem:s21], [sflag:$0x1] =	stream.indirect.gather [hbm4b:s2+s16], $0x80, s31, s16, $0xb8;
	[tilespmem:$0x10200] =	vst v63  }
0x104: {  	s29 =	sadd.s32 $0x1, s29;
	s1 =	sadd.s32 s3, s1  }
0x105: {  	[tilespmem:s22], [sflag:$0x1] =	stream.linear.gather [hbm4b:s1+s8], $0x2000, $0x38;
	[tilespmem:$0x10200] =	vst v63  }
.LBB2_9:
0x106: {  	_ =	sfence.sel $0x180000  }
0x107: {  	[bflag:$0x0] =	sbarrier.arrive $0xFFFF  }
0x108: {  	_ =	strace $0x90000047  }
0x109: {  	s0 =	stileid.u32;
	[bflag:$0x2] =	sbarrier.arrive $0xFFFF  }
0x10a: {  	p0 =	sne.s32 s0, $0x0;
	s0 =	rddreg [dreg:$0x7]  }
0x10b: {  	s0 =	sadd.s32 @!p0 $0x100000, s0  }
0x10c: {  	[sflag:s0] =	ssyncadd.tile.s32 @!p0 $0x1;
	_ =	shalt  }
.Lfunc_end2:
_tile_overlayer_lowered:
.L_overlay_start_2:
0x10d: {  	(tag) =	ssettag $0x2  }
0x10e: {  	s0 =	rddreg [dreg:$0x0];
	s2 =	stileid.u32  }
0x10f: {  	s1 =	rddreg [dreg:$0x1];
	p0 =	sne.s32 s2, $0x0  }
0x110: {  	s3 =	rddreg [dreg:$0x2];
	[bflag:$0x3] =	sbarrier.arrive $0xFFFF;
	s2 =	simm.s32 @!p0 $0x1C03  }
0x111: {  	[timem:s3], [sflag:s2] =	dma.local @!p0 [hbm:s0], s1  }
0x112: {  	s0 =	simm.s32 @!p0 $0x3  }
0x113: {  	_ =	swait.ge @!p0 [sflag:s0], s1  }
0x114: {  	s1 =	ssub.s32 @!p0 $0x0, s1;
	[sflag:s0] =	ssyncset.done @!p0 $0x0  }
0x115: {  	[sflag:s0] =	ssyncadd.s32 @!p0 s1  }
0x116: {  	[bflag:$0x3] =	sbarrier.arrive $0xFFFF  }
0x117: {  	_ =	shalt  }

</sc_bundles>
